<compile_context>
chip_gen: v7x
topology: tpu7x:2x2x1
jax: 0.10.2.dev20260603
libtpu: 0.0.44.dev20260713+nightly
codegen_flags: <defaults>
</compile_context>

<pallas_src>
import functools

import jax
import jax.numpy as jnp
from jax import lax
from jax.experimental import pallas as pl
from jax.experimental.pallas import tpu as pltpu
from jax.experimental.pallas import tpu_sc as plsc

_B, _S, _V = 1024, 50, 1000
_L = 16
_NBUF = 2


def _onehot_body(nw, bpw, idx_hbm, zeros_hbm, out_hbm, idx_v, buf, *sems):
    nsteps = bpw // _NBUF
    wid = lax.axis_index("s") * (nw // 16) + lax.axis_index("c")
    base = wid * bpw

    pltpu.sync_copy(idx_hbm.at[pl.ds(base * _S, bpw * _S)], idx_v)
    for b in range(_NBUF):
        pltpu.sync_copy(zeros_hbm, buf.at[b])

    lanes = lax.iota(jnp.int32, 16)
    ones = jnp.ones((_L,), jnp.float32)
    zeros = jnp.zeros((_L,), jnp.float32)
    groups = ((0, None), (16, None), (32, None),
              (40, (lanes >= 8) & (lanes < 10)))

    def scatter(g, b, val):
        for off, mask in groups:
            rows = lanes + off
            idxvec = idx_v[pl.ds(g * _S + off, _L)]
            plsc.store_scatter(buf.at[b], [rows, idxvec], val, mask=mask)

    def fire(g, b):
        scatter(g, b, ones)
        pltpu.async_copy(buf.at[b], out_hbm.at[base + g], sems[b])

    def wait(b):
        pltpu.make_async_copy(buf.at[b], out_hbm.at[base], sems[b]).wait()

    for b in range(_NBUF):
        fire(b, b)

    def body(step, carry):
        for b in range(_NBUF):
            g = step * _NBUF + b
            wait(b)
            scatter(g - _NBUF, b, zeros)
            fire(g, b)
        return carry

    lax.fori_loop(1, nsteps, body, 0, unroll=False)

    for b in range(_NBUF):
        wait(b)


def _onehot_sc(idx, zeros):
    info = plsc.get_sparse_core_info()
    nw = info.num_cores * info.num_subcores
    bpw = _B // nw
    mesh = plsc.VectorSubcoreMesh(core_axis_name="c", subcore_axis_name="s")
    k = functools.partial(
        pl.kernel,
        mesh=mesh,
        compiler_params=pltpu.CompilerParams(needs_layout_passes=False),
        out_type=jax.ShapeDtypeStruct((_B, _S, _V), jnp.float32),
        scratch_types=[
            pltpu.VMEM((bpw * _S,), jnp.int32),
            pltpu.VMEM((_NBUF, _S, _V), jnp.float32),
        ] + [pltpu.SemaphoreType.DMA] * _NBUF,
    )(functools.partial(_onehot_body, nw, bpw))
    return k(idx, zeros)


def kernel(inputs):
    idx = jnp.ravel(inputs).astype(jnp.int32)
    zeros = jnp.zeros((_S, _V), jnp.float32)
    return _onehot_sc(idx, zeros)

# --- scband reference (transcript-rebuilt; emitter-appended) ---
"""Pipeline reference for scband-one-hot-10393820857068 (READ-ONLY COPY).

The authoritative reference and input builder live on the scoring server;
editing this copy changes nothing except your own understanding.
"""

import jax, jax.numpy as jnp
import numpy as np

MAX_VALUE = 1000

def setup_inputs(seed: int = 0) -> dict:
    key = jax.random.key(seed)
    inputs = jax.random.randint(key, (1024, 50), 0, MAX_VALUE, dtype=jnp.int64)
    return {"inputs": inputs}

def reference(inputs) -> jnp.ndarray:
    # tf.one_hot(inputs, max_value, on_value=1.0, off_value=0.0, axis=-1)
    return jax.nn.one_hot(inputs, MAX_VALUE, axis=-1, dtype=jnp.float32)

if __name__ == "__main__":
    import jax
    _d = setup_inputs()
    print(jax.jit(kernel)(*tuple(_d.values())))

</pallas_src>

<mosaic_0001>
#map = affine_map<(d0, d1) -> (0)>
#map1 = affine_map<(d0, d1) -> (0, 0)>
#map2 = affine_map<(d0, d1) -> (0, 0, 0)>
module attributes {stable_mosaic.version = 14 : i64} {
  func.func @_onehot_body(%arg0: i32, %arg1: i32, %arg2: memref<51200xi32, #tpu.memory_space<hbm>>, %arg3: memref<50x1000xf32, #tpu.memory_space<hbm>>, %arg4: memref<1024x50x1000xf32, #tpu.memory_space<hbm>>, %arg5: memref<1600xi32, #tpu.memory_space<vmem>>, %arg6: memref<2x50x1000xf32, #tpu.memory_space<vmem>>, %arg7: memref<!tpu.dma_semaphore, #tpu.memory_space<semaphore_mem>>, %arg8: memref<!tpu.dma_semaphore, #tpu.memory_space<semaphore_mem>>) attributes {dimension_semantics = [#tpu.dimension_semantics<core_parallel>, #tpu.dimension_semantics<subcore_parallel>], iteration_bounds = array<i64: 2, 16>, scalar_prefetch = 0 : i64, scratch_operands = 4 : i64, tpu.core_type = #tpu.core_type<sc_vector_subcore>, window_params = [{transform_indices = #map}, {transform_indices = #map1}, {transform_indices = #map2}]} {
    %mul3A = arith.constant 2 : i32
    %mul3A_0 = arith.muli %arg1, %mul3A : i32
    %add3A = arith.addi %mul3A_0, %arg0 : i32
    %mul3A_1 = arith.constant 32 : i32
    %mul3A_2 = arith.muli %add3A, %mul3A_1 : i32
    %mul3A_3 = arith.constant 50 : i32
    %mul3A_4 = arith.muli %mul3A_2, %mul3A_3 : i32
    "tpu.region"() ({
      %run_scoped3A_166 = tpu.sem_alloc : memref<!tpu.dma_semaphore, #tpu.memory_space<semaphore_mem>>
      %dma_start3A_167 = tpu.memref_slice %arg2[%mul3A_4] : memref<51200xi32, #tpu.memory_space<hbm>> -> memref<1600xi32, #tpu.memory_space<hbm>>
      %dma_start3A_168 = tpu.memref_slice %arg2[%mul3A_4] : memref<51200xi32, #tpu.memory_space<hbm>> -> memref<1600xi32, #tpu.memory_space<hbm>>
      tpu.enqueue_dma source(%dma_start3A_168 : memref<1600xi32, #tpu.memory_space<hbm>>) target(%arg5 : memref<1600xi32, #tpu.memory_space<vmem>>) target_semaphore(%run_scoped3A_166 : memref<!tpu.dma_semaphore, #tpu.memory_space<semaphore_mem>>)
      %dma_wait3A_169 = tpu.memref_slice %arg2[%mul3A_4] : memref<51200xi32, #tpu.memory_space<hbm>> -> memref<1600xi32, #tpu.memory_space<hbm>>
      %dma_wait3A_170 = tpu.memref_slice %arg2[%mul3A_4] : memref<51200xi32, #tpu.memory_space<hbm>> -> memref<1600xi32, #tpu.memory_space<hbm>>
      tpu.wait_dma2 semaphore(%run_scoped3A_166 : memref<!tpu.dma_semaphore, #tpu.memory_space<semaphore_mem>>) src(%dma_wait3A_170 : memref<1600xi32, #tpu.memory_space<hbm>>) dst(%arg5 : memref<1600xi32, #tpu.memory_space<vmem>>)
      tpu.yield
    }) : () -> ()
    %run_scoped3A = arith.constant 0 : i32
    "tpu.region"() ({
      %run_scoped3A_166 = tpu.sem_alloc : memref<!tpu.dma_semaphore, #tpu.memory_space<semaphore_mem>>
      %dma_start3A_167 = arith.constant 0 : i32
      %dma_start3A_168 = arith.constant 0 : i32
      %dma_start3A_169 = tpu.memref_slice %arg6[%run_scoped3A, %dma_start3A_167, %dma_start3A_168] : memref<2x50x1000xf32, #tpu.memory_space<vmem>> -> memref<1x50x1000xf32, #tpu.memory_space<vmem>>
      %dma_start3A_170 = tpu.memref_squeeze %dma_start3A_169 : memref<1x50x1000xf32, #tpu.memory_space<vmem>> -> memref<50x1000xf32, #tpu.memory_space<vmem>>
      %dma_start3A_171 = arith.constant 0 : i32
      %dma_start3A_172 = arith.constant 0 : i32
      %dma_start3A_173 = tpu.memref_slice %arg6[%run_scoped3A, %dma_start3A_171, %dma_start3A_172] : memref<2x50x1000xf32, #tpu.memory_space<vmem>> -> memref<1x50x1000xf32, #tpu.memory_space<vmem>>
      %dma_start3A_174 = tpu.memref_squeeze %dma_start3A_173 : memref<1x50x1000xf32, #tpu.memory_space<vmem>> -> memref<50x1000xf32, #tpu.memory_space<vmem>>
      tpu.enqueue_dma source(%arg3 : memref<50x1000xf32, #tpu.memory_space<hbm>>) target(%dma_start3A_174 : memref<50x1000xf32, #tpu.memory_space<vmem>>) target_semaphore(%run_scoped3A_166 : memref<!tpu.dma_semaphore, #tpu.memory_space<semaphore_mem>>)
      %dma_wait3A_175 = arith.constant 0 : i32
      %dma_wait3A_176 = arith.constant 0 : i32
      %dma_wait3A_177 = tpu.memref_slice %arg6[%run_scoped3A, %dma_wait3A_175, %dma_wait3A_176] : memref<2x50x1000xf32, #tpu.memory_space<vmem>> -> memref<1x50x1000xf32, #tpu.memory_space<vmem>>
      %dma_wait3A_178 = tpu.memref_squeeze %dma_wait3A_177 : memref<1x50x1000xf32, #tpu.memory_space<vmem>> -> memref<50x1000xf32, #tpu.memory_space<vmem>>
      %dma_wait3A_179 = arith.constant 0 : i32
      %dma_wait3A_180 = arith.constant 0 : i32
      %dma_wait3A_181 = tpu.memref_slice %arg6[%run_scoped3A, %dma_wait3A_179, %dma_wait3A_180] : memref<2x50x1000xf32, #tpu.memory_space<vmem>> -> memref<1x50x1000xf32, #tpu.memory_space<vmem>>
      %dma_wait3A_182 = tpu.memref_squeeze %dma_wait3A_181 : memref<1x50x1000xf32, #tpu.memory_space<vmem>> -> memref<50x1000xf32, #tpu.memory_space<vmem>>
      tpu.wait_dma2 semaphore(%run_scoped3A_166 : memref<!tpu.dma_semaphore, #tpu.memory_space<semaphore_mem>>) src(%arg3 : memref<50x1000xf32, #tpu.memory_space<hbm>>) dst(%dma_wait3A_182 : memref<50x1000xf32, #tpu.memory_space<vmem>>)
      tpu.yield
    }) : () -> ()
    %run_scoped3A_5 = arith.constant 1 : i32
    "tpu.region"() ({
      %run_scoped3A_166 = tpu.sem_alloc : memref<!tpu.dma_semaphore, #tpu.memory_space<semaphore_mem>>
      %dma_start3A_167 = arith.constant 0 : i32
      %dma_start3A_168 = arith.constant 0 : i32
      %dma_start3A_169 = tpu.memref_slice %arg6[%run_scoped3A_5, %dma_start3A_167, %dma_start3A_168] : memref<2x50x1000xf32, #tpu.memory_space<vmem>> -> memref<1x50x1000xf32, #tpu.memory_space<vmem>>
      %dma_start3A_170 = tpu.memref_squeeze %dma_start3A_169 : memref<1x50x1000xf32, #tpu.memory_space<vmem>> -> memref<50x1000xf32, #tpu.memory_space<vmem>>
      %dma_start3A_171 = arith.constant 0 : i32
      %dma_start3A_172 = arith.constant 0 : i32
      %dma_start3A_173 = tpu.memref_slice %arg6[%run_scoped3A_5, %dma_start3A_171, %dma_start3A_172] : memref<2x50x1000xf32, #tpu.memory_space<vmem>> -> memref<1x50x1000xf32, #tpu.memory_space<vmem>>
      %dma_start3A_174 = tpu.memref_squeeze %dma_start3A_173 : memref<1x50x1000xf32, #tpu.memory_space<vmem>> -> memref<50x1000xf32, #tpu.memory_space<vmem>>
      tpu.enqueue_dma source(%arg3 : memref<50x1000xf32, #tpu.memory_space<hbm>>) target(%dma_start3A_174 : memref<50x1000xf32, #tpu.memory_space<vmem>>) target_semaphore(%run_scoped3A_166 : memref<!tpu.dma_semaphore, #tpu.memory_space<semaphore_mem>>)
      %dma_wait3A_175 = arith.constant 0 : i32
      %dma_wait3A_176 = arith.constant 0 : i32
      %dma_wait3A_177 = tpu.memref_slice %arg6[%run_scoped3A_5, %dma_wait3A_175, %dma_wait3A_176] : memref<2x50x1000xf32, #tpu.memory_space<vmem>> -> memref<1x50x1000xf32, #tpu.memory_space<vmem>>
      %dma_wait3A_178 = tpu.memref_squeeze %dma_wait3A_177 : memref<1x50x1000xf32, #tpu.memory_space<vmem>> -> memref<50x1000xf32, #tpu.memory_space<vmem>>
      %dma_wait3A_179 = arith.constant 0 : i32
      %dma_wait3A_180 = arith.constant 0 : i32
      %dma_wait3A_181 = tpu.memref_slice %arg6[%run_scoped3A_5, %dma_wait3A_179, %dma_wait3A_180] : memref<2x50x1000xf32, #tpu.memory_space<vmem>> -> memref<1x50x1000xf32, #tpu.memory_space<vmem>>
      %dma_wait3A_182 = tpu.memref_squeeze %dma_wait3A_181 : memref<1x50x1000xf32, #tpu.memory_space<vmem>> -> memref<50x1000xf32, #tpu.memory_space<vmem>>
      tpu.wait_dma2 semaphore(%run_scoped3A_166 : memref<!tpu.dma_semaphore, #tpu.memory_space<semaphore_mem>>) src(%arg3 : memref<50x1000xf32, #tpu.memory_space<hbm>>) dst(%dma_wait3A_182 : memref<50x1000xf32, #tpu.memory_space<vmem>>)
      tpu.yield
    }) : () -> ()
    %iota3A = tpu.iota {dimensions = array<i32: 0>} : vector<16xi32>
    %broadcast_in_dim3A = arith.constant 1.000000e+00 : f32
    %broadcast_in_dim3A_6 = vector.broadcast %broadcast_in_dim3A : f32 to vector<16xf32>
    %broadcast_in_dim3A_7 = arith.constant 0.000000e+00 : f32
    %broadcast_in_dim3A_8 = vector.broadcast %broadcast_in_dim3A_7 : f32 to vector<16xf32>
    %ge3A = arith.constant 8 : i32
    %ge3A_9 = vector.broadcast %ge3A : i32 to vector<16xi32>
    %ge3A_10 = arith.cmpi sge, %iota3A, %ge3A_9 : vector<16xi32>
    %lt3A = arith.constant 10 : i32
    %lt3A_11 = vector.broadcast %lt3A : i32 to vector<16xi32>
    %lt3A_12 = arith.cmpi slt, %iota3A, %lt3A_11 : vector<16xi32>
    %and3A = arith.andi %ge3A_10, %lt3A_12 : vector<16xi1>
    %add3A_13 = arith.constant 0 : i32
    %add3A_14 = vector.broadcast %add3A_13 : i32 to vector<16xi32>
    %add3A_15 = arith.addi %iota3A, %add3A_14 : vector<16xi32>
    %get3A = arith.constant 0 : index
    %get3A_16 = tpu.vector_load %arg5[%get3A] {strides = array<i32>} : memref<1600xi32, #tpu.memory_space<vmem>>, vector<16xi32>,
    %scatter3A = arith.constant 0 : i32
    %scatter3A_17 = arith.constant 0 : i32
    %scatter3A_18 = arith.constant 0 : i32
    %scatter3A_19 = tpu.memref_slice %arg6[%scatter3A, %scatter3A_17, %scatter3A_18] : memref<2x50x1000xf32, #tpu.memory_space<vmem>> -> memref<1x50x1000xf32, #tpu.memory_space<vmem>>
    %scatter3A_20 = tpu.memref_squeeze %scatter3A_19 : memref<1x50x1000xf32, #tpu.memory_space<vmem>> -> memref<50x1000xf32, #tpu.memory_space<vmem>>
    tpu.vector_store_idx %scatter3A_20[%add3A_15, %get3A_16], %broadcast_in_dim3A_6 : memref<50x1000xf32, #tpu.memory_space<vmem>>[vector<16xi32>, vector<16xi32>], vector<16xf32>,
    %add3A_21 = arith.constant 16 : i32
    %add3A_22 = vector.broadcast %add3A_21 : i32 to vector<16xi32>
    %add3A_23 = arith.addi %iota3A, %add3A_22 : vector<16xi32>
    %get3A_24 = arith.constant 16 : index
    %get3A_25 = tpu.vector_load %arg5[%get3A_24] {strides = array<i32>} : memref<1600xi32, #tpu.memory_space<vmem>>, vector<16xi32>,
    %scatter3A_26 = arith.constant 0 : i32
    %scatter3A_27 = arith.constant 0 : i32
    %scatter3A_28 = arith.constant 0 : i32
    %scatter3A_29 = tpu.memref_slice %arg6[%scatter3A_26, %scatter3A_27, %scatter3A_28] : memref<2x50x1000xf32, #tpu.memory_space<vmem>> -> memref<1x50x1000xf32, #tpu.memory_space<vmem>>
    %scatter3A_30 = tpu.memref_squeeze %scatter3A_29 : memref<1x50x1000xf32, #tpu.memory_space<vmem>> -> memref<50x1000xf32, #tpu.memory_space<vmem>>
    tpu.vector_store_idx %scatter3A_30[%add3A_23, %get3A_25], %broadcast_in_dim3A_6 : memref<50x1000xf32, #tpu.memory_space<vmem>>[vector<16xi32>, vector<16xi32>], vector<16xf32>,
    %add3A_31 = arith.constant 32 : i32
    %add3A_32 = vector.broadcast %add3A_31 : i32 to vector<16xi32>
    %add3A_33 = arith.addi %iota3A, %add3A_32 : vector<16xi32>
    %get3A_34 = arith.constant 32 : index
    %get3A_35 = tpu.vector_load %arg5[%get3A_34] {strides = array<i32>} : memref<1600xi32, #tpu.memory_space<vmem>>, vector<16xi32>,
    %scatter3A_36 = arith.constant 0 : i32
    %scatter3A_37 = arith.constant 0 : i32
    %scatter3A_38 = arith.constant 0 : i32
    %scatter3A_39 = tpu.memref_slice %arg6[%scatter3A_36, %scatter3A_37, %scatter3A_38] : memref<2x50x1000xf32, #tpu.memory_space<vmem>> -> memref<1x50x1000xf32, #tpu.memory_space<vmem>>
    %scatter3A_40 = tpu.memref_squeeze %scatter3A_39 : memref<1x50x1000xf32, #tpu.memory_space<vmem>> -> memref<50x1000xf32, #tpu.memory_space<vmem>>
    tpu.vector_store_idx %scatter3A_40[%add3A_33, %get3A_35], %broadcast_in_dim3A_6 : memref<50x1000xf32, #tpu.memory_space<vmem>>[vector<16xi32>, vector<16xi32>], vector<16xf32>,
    %add3A_41 = arith.constant 40 : i32
    %add3A_42 = vector.broadcast %add3A_41 : i32 to vector<16xi32>
    %add3A_43 = arith.addi %iota3A, %add3A_42 : vector<16xi32>
    %get3A_44 = arith.constant 40 : index
    %get3A_45 = tpu.vector_load %arg5[%get3A_44] {strides = array<i32>} : memref<1600xi32, #tpu.memory_space<vmem>>, vector<16xi32>,
    %scatter3A_46 = arith.constant 0 : i32
    %scatter3A_47 = arith.constant 0 : i32
    %scatter3A_48 = arith.constant 0 : i32
    %scatter3A_49 = tpu.memref_slice %arg6[%scatter3A_46, %scatter3A_47, %scatter3A_48] : memref<2x50x1000xf32, #tpu.memory_space<vmem>> -> memref<1x50x1000xf32, #tpu.memory_space<vmem>>
    %scatter3A_50 = tpu.memref_squeeze %scatter3A_49 : memref<1x50x1000xf32, #tpu.memory_space<vmem>> -> memref<50x1000xf32, #tpu.memory_space<vmem>>
    tpu.vector_store_idx %scatter3A_50[%add3A_43, %get3A_45], %broadcast_in_dim3A_6 masked %and3A : memref<50x1000xf32, #tpu.memory_space<vmem>>[vector<16xi32>, vector<16xi32>], vector<16xf32>, vector<16xi1>
    %add3A_51 = arith.constant 0 : i32
    %add3A_52 = arith.addi %mul3A_2, %add3A_51 : i32
    %dma_start3A = arith.constant 0 : i32
    %dma_start3A_53 = arith.constant 0 : i32
    %dma_start3A_54 = arith.constant 0 : i32
    %dma_start3A_55 = tpu.memref_slice %arg6[%dma_start3A, %dma_start3A_53, %dma_start3A_54] : memref<2x50x1000xf32, #tpu.memory_space<vmem>> -> memref<1x50x1000xf32, #tpu.memory_space<vmem>>
    %dma_start3A_56 = tpu.memref_squeeze %dma_start3A_55 : memref<1x50x1000xf32, #tpu.memory_space<vmem>> -> memref<50x1000xf32, #tpu.memory_space<vmem>>
    %dma_start3A_57 = arith.constant 0 : i32
    %dma_start3A_58 = arith.constant 0 : i32
    %dma_start3A_59 = tpu.memref_slice %arg4[%add3A_52, %dma_start3A_57, %dma_start3A_58] : memref<1024x50x1000xf32, #tpu.memory_space<hbm>> -> memref<1x50x1000xf32, #tpu.memory_space<hbm>>
    %dma_start3A_60 = tpu.memref_squeeze %dma_start3A_59 : memref<1x50x1000xf32, #tpu.memory_space<hbm>> -> memref<50x1000xf32, #tpu.memory_space<hbm>>
    %dma_start3A_61 = arith.constant 0 : i32
    %dma_start3A_62 = arith.constant 0 : i32
    %dma_start3A_63 = tpu.memref_slice %arg4[%add3A_52, %dma_start3A_61, %dma_start3A_62] : memref<1024x50x1000xf32, #tpu.memory_space<hbm>> -> memref<1x50x1000xf32, #tpu.memory_space<hbm>>
    %dma_start3A_64 = tpu.memref_squeeze %dma_start3A_63 : memref<1x50x1000xf32, #tpu.memory_space<hbm>> -> memref<50x1000xf32, #tpu.memory_space<hbm>>
    %dma_start3A_65 = arith.constant 0 : i32
    %dma_start3A_66 = arith.constant 0 : i32
    %dma_start3A_67 = tpu.memref_slice %arg6[%dma_start3A, %dma_start3A_65, %dma_start3A_66] : memref<2x50x1000xf32, #tpu.memory_space<vmem>> -> memref<1x50x1000xf32, #tpu.memory_space<vmem>>
    %dma_start3A_68 = tpu.memref_squeeze %dma_start3A_67 : memref<1x50x1000xf32, #tpu.memory_space<vmem>> -> memref<50x1000xf32, #tpu.memory_space<vmem>>
    tpu.enqueue_dma source(%dma_start3A_68 : memref<50x1000xf32, #tpu.memory_space<vmem>>) target(%dma_start3A_64 : memref<50x1000xf32, #tpu.memory_space<hbm>>) target_semaphore(%arg7 : memref<!tpu.dma_semaphore, #tpu.memory_space<semaphore_mem>>)
    %add3A_69 = arith.constant 0 : i32
    %add3A_70 = vector.broadcast %add3A_69 : i32 to vector<16xi32>
    %add3A_71 = arith.addi %iota3A, %add3A_70 : vector<16xi32>
    %get3A_72 = arith.constant 50 : index
    %get3A_73 = tpu.vector_load %arg5[%get3A_72] {strides = array<i32>} : memref<1600xi32, #tpu.memory_space<vmem>>, vector<16xi32>,
    %scatter3A_74 = arith.constant 1 : i32
    %scatter3A_75 = arith.constant 0 : i32
    %scatter3A_76 = arith.constant 0 : i32
    %scatter3A_77 = tpu.memref_slice %arg6[%scatter3A_74, %scatter3A_75, %scatter3A_76] : memref<2x50x1000xf32, #tpu.memory_space<vmem>> -> memref<1x50x1000xf32, #tpu.memory_space<vmem>>
    %scatter3A_78 = tpu.memref_squeeze %scatter3A_77 : memref<1x50x1000xf32, #tpu.memory_space<vmem>> -> memref<50x1000xf32, #tpu.memory_space<vmem>>
    tpu.vector_store_idx %scatter3A_78[%add3A_71, %get3A_73], %broadcast_in_dim3A_6 : memref<50x1000xf32, #tpu.memory_space<vmem>>[vector<16xi32>, vector<16xi32>], vector<16xf32>,
    %add3A_79 = arith.constant 16 : i32
    %add3A_80 = vector.broadcast %add3A_79 : i32 to vector<16xi32>
    %add3A_81 = arith.addi %iota3A, %add3A_80 : vector<16xi32>
    %get3A_82 = arith.constant 66 : index
    %get3A_83 = tpu.vector_load %arg5[%get3A_82] {strides = array<i32>} : memref<1600xi32, #tpu.memory_space<vmem>>, vector<16xi32>,
    %scatter3A_84 = arith.constant 1 : i32
    %scatter3A_85 = arith.constant 0 : i32
    %scatter3A_86 = arith.constant 0 : i32
    %scatter3A_87 = tpu.memref_slice %arg6[%scatter3A_84, %scatter3A_85, %scatter3A_86] : memref<2x50x1000xf32, #tpu.memory_space<vmem>> -> memref<1x50x1000xf32, #tpu.memory_space<vmem>>
    %scatter3A_88 = tpu.memref_squeeze %scatter3A_87 : memref<1x50x1000xf32, #tpu.memory_space<vmem>> -> memref<50x1000xf32, #tpu.memory_space<vmem>>
    tpu.vector_store_idx %scatter3A_88[%add3A_81, %get3A_83], %broadcast_in_dim3A_6 : memref<50x1000xf32, #tpu.memory_space<vmem>>[vector<16xi32>, vector<16xi32>], vector<16xf32>,
    %add3A_89 = arith.constant 32 : i32
    %add3A_90 = vector.broadcast %add3A_89 : i32 to vector<16xi32>
    %add3A_91 = arith.addi %iota3A, %add3A_90 : vector<16xi32>
    %get3A_92 = arith.constant 82 : index
    %get3A_93 = tpu.vector_load %arg5[%get3A_92] {strides = array<i32>} : memref<1600xi32, #tpu.memory_space<vmem>>, vector<16xi32>,
    %scatter3A_94 = arith.constant 1 : i32
    %scatter3A_95 = arith.constant 0 : i32
    %scatter3A_96 = arith.constant 0 : i32
    %scatter3A_97 = tpu.memref_slice %arg6[%scatter3A_94, %scatter3A_95, %scatter3A_96] : memref<2x50x1000xf32, #tpu.memory_space<vmem>> -> memref<1x50x1000xf32, #tpu.memory_space<vmem>>
    %scatter3A_98 = tpu.memref_squeeze %scatter3A_97 : memref<1x50x1000xf32, #tpu.memory_space<vmem>> -> memref<50x1000xf32, #tpu.memory_space<vmem>>
    tpu.vector_store_idx %scatter3A_98[%add3A_91, %get3A_93], %broadcast_in_dim3A_6 : memref<50x1000xf32, #tpu.memory_space<vmem>>[vector<16xi32>, vector<16xi32>], vector<16xf32>,
    %add3A_99 = arith.constant 40 : i32
    %add3A_100 = vector.broadcast %add3A_99 : i32 to vector<16xi32>
    %add3A_101 = arith.addi %iota3A, %add3A_100 : vector<16xi32>
    %get3A_102 = arith.constant 90 : index
    %get3A_103 = tpu.vector_load %arg5[%get3A_102] {strides = array<i32>} : memref<1600xi32, #tpu.memory_space<vmem>>, vector<16xi32>,
    %scatter3A_104 = arith.constant 1 : i32
    %scatter3A_105 = arith.constant 0 : i32
    %scatter3A_106 = arith.constant 0 : i32
    %scatter3A_107 = tpu.memref_slice %arg6[%scatter3A_104, %scatter3A_105, %scatter3A_106] : memref<2x50x1000xf32, #tpu.memory_space<vmem>> -> memref<1x50x1000xf32, #tpu.memory_space<vmem>>
    %scatter3A_108 = tpu.memref_squeeze %scatter3A_107 : memref<1x50x1000xf32, #tpu.memory_space<vmem>> -> memref<50x1000xf32, #tpu.memory_space<vmem>>
    tpu.vector_store_idx %scatter3A_108[%add3A_101, %get3A_103], %broadcast_in_dim3A_6 masked %and3A : memref<50x1000xf32, #tpu.memory_space<vmem>>[vector<16xi32>, vector<16xi32>], vector<16xf32>, vector<16xi1>
    %add3A_109 = arith.constant 1 : i32
    %add3A_110 = arith.addi %mul3A_2, %add3A_109 : i32
    %dma_start3A_111 = arith.constant 1 : i32
    %dma_start3A_112 = arith.constant 0 : i32
    %dma_start3A_113 = arith.constant 0 : i32
    %dma_start3A_114 = tpu.memref_slice %arg6[%dma_start3A_111, %dma_start3A_112, %dma_start3A_113] : memref<2x50x1000xf32, #tpu.memory_space<vmem>> -> memref<1x50x1000xf32, #tpu.memory_space<vmem>>
    %dma_start3A_115 = tpu.memref_squeeze %dma_start3A_114 : memref<1x50x1000xf32, #tpu.memory_space<vmem>> -> memref<50x1000xf32, #tpu.memory_space<vmem>>
    %dma_start3A_116 = arith.constant 0 : i32
    %dma_start3A_117 = arith.constant 0 : i32
    %dma_start3A_118 = tpu.memref_slice %arg4[%add3A_110, %dma_start3A_116, %dma_start3A_117] : memref<1024x50x1000xf32, #tpu.memory_space<hbm>> -> memref<1x50x1000xf32, #tpu.memory_space<hbm>>
    %dma_start3A_119 = tpu.memref_squeeze %dma_start3A_118 : memref<1x50x1000xf32, #tpu.memory_space<hbm>> -> memref<50x1000xf32, #tpu.memory_space<hbm>>
    %dma_start3A_120 = arith.constant 0 : i32
    %dma_start3A_121 = arith.constant 0 : i32
    %dma_start3A_122 = tpu.memref_slice %arg4[%add3A_110, %dma_start3A_120, %dma_start3A_121] : memref<1024x50x1000xf32, #tpu.memory_space<hbm>> -> memref<1x50x1000xf32, #tpu.memory_space<hbm>>
    %dma_start3A_123 = tpu.memref_squeeze %dma_start3A_122 : memref<1x50x1000xf32, #tpu.memory_space<hbm>> -> memref<50x1000xf32, #tpu.memory_space<hbm>>
    %dma_start3A_124 = arith.constant 0 : i32
    %dma_start3A_125 = arith.constant 0 : i32
    %dma_start3A_126 = tpu.memref_slice %arg6[%dma_start3A_111, %dma_start3A_124, %dma_start3A_125] : memref<2x50x1000xf32, #tpu.memory_space<vmem>> -> memref<1x50x1000xf32, #tpu.memory_space<vmem>>
    %dma_start3A_127 = tpu.memref_squeeze %dma_start3A_126 : memref<1x50x1000xf32, #tpu.memory_space<vmem>> -> memref<50x1000xf32, #tpu.memory_space<vmem>>
    tpu.enqueue_dma source(%dma_start3A_127 : memref<50x1000xf32, #tpu.memory_space<vmem>>) target(%dma_start3A_123 : memref<50x1000xf32, #tpu.memory_space<hbm>>) target_semaphore(%arg8 : memref<!tpu.dma_semaphore, #tpu.memory_space<semaphore_mem>>)
    %scan3A = arith.constant 0 : i32
    %scan3A_128 = arith.constant 1 : i32
    %scan3A_129 = arith.constant 15 : i32
    %scan3A_130 = arith.addi %scan3A_128, %scan3A_129 : i32
    %scan3A_131 = arith.constant 1 : i32
    scf.for %scan3A_166 = %scan3A_128 to %scan3A_130 step %scan3A_131  : i32 {
      %mul3A_167 = arith.constant 2 : i32
      %mul3A_168 = arith.muli %scan3A_166, %mul3A_167 : i32
      %add3A_169 = arith.constant 0 : i32
      %add3A_170 = arith.addi %mul3A_168, %add3A_169 : i32
      %dma_wait3A_171 = arith.constant 0 : i32
      %dma_wait3A_172 = arith.constant 0 : i32
      %dma_wait3A_173 = arith.constant 0 : i32
      %dma_wait3A_174 = tpu.memref_slice %arg6[%dma_wait3A_171, %dma_wait3A_172, %dma_wait3A_173] : memref<2x50x1000xf32, #tpu.memory_space<vmem>> -> memref<1x50x1000xf32, #tpu.memory_space<vmem>>
      %dma_wait3A_175 = tpu.memref_squeeze %dma_wait3A_174 : memref<1x50x1000xf32, #tpu.memory_space<vmem>> -> memref<50x1000xf32, #tpu.memory_space<vmem>>
      %dma_wait3A_176 = arith.constant 0 : i32
      %dma_wait3A_177 = arith.constant 0 : i32
      %dma_wait3A_178 = tpu.memref_slice %arg4[%mul3A_2, %dma_wait3A_176, %dma_wait3A_177] : memref<1024x50x1000xf32, #tpu.memory_space<hbm>> -> memref<1x50x1000xf32, #tpu.memory_space<hbm>>
      %dma_wait3A_179 = tpu.memref_squeeze %dma_wait3A_178 : memref<1x50x1000xf32, #tpu.memory_space<hbm>> -> memref<50x1000xf32, #tpu.memory_space<hbm>>
      %dma_wait3A_180 = arith.constant 0 : i32
      %dma_wait3A_181 = arith.constant 0 : i32
      %dma_wait3A_182 = tpu.memref_slice %arg4[%mul3A_2, %dma_wait3A_180, %dma_wait3A_181] : memref<1024x50x1000xf32, #tpu.memory_space<hbm>> -> memref<1x50x1000xf32, #tpu.memory_space<hbm>>
      %dma_wait3A_183 = tpu.memref_squeeze %dma_wait3A_182 : memref<1x50x1000xf32, #tpu.memory_space<hbm>> -> memref<50x1000xf32, #tpu.memory_space<hbm>>
      %dma_wait3A_184 = arith.constant 0 : i32
      %dma_wait3A_185 = arith.constant 0 : i32
      %dma_wait3A_186 = tpu.memref_slice %arg6[%dma_wait3A_171, %dma_wait3A_184, %dma_wait3A_185] : memref<2x50x1000xf32, #tpu.memory_space<vmem>> -> memref<1x50x1000xf32, #tpu.memory_space<vmem>>
      %dma_wait3A_187 = tpu.memref_squeeze %dma_wait3A_186 : memref<1x50x1000xf32, #tpu.memory_space<vmem>> -> memref<50x1000xf32, #tpu.memory_space<vmem>>
      tpu.wait_dma2 semaphore(%arg7 : memref<!tpu.dma_semaphore, #tpu.memory_space<semaphore_mem>>) src(%dma_wait3A_187 : memref<50x1000xf32, #tpu.memory_space<vmem>>) dst(%dma_wait3A_183 : memref<50x1000xf32, #tpu.memory_space<hbm>>)
      %sub3A = arith.constant 2 : i32
      %sub3A_188 = arith.subi %add3A_170, %sub3A : i32
      %add3A_189 = arith.constant 0 : i32
      %add3A_190 = vector.broadcast %add3A_189 : i32 to vector<16xi32>
      %add3A_191 = arith.addi %iota3A, %add3A_190 : vector<16xi32>
      %mul3A_192 = arith.constant 50 : i32
      %mul3A_193 = arith.muli %sub3A_188, %mul3A_192 : i32
      %add3A_194 = arith.constant 0 : i32
      %add3A_195 = arith.addi %mul3A_193, %add3A_194 : i32
      %get3A_196 = arith.index_cast %add3A_195 : i32 to index
      %get3A_197 = tpu.vector_load %arg5[%get3A_196] {strides = array<i32>} : memref<1600xi32, #tpu.memory_space<vmem>>, vector<16xi32>,
      %scatter3A_198 = arith.constant 0 : i32
      %scatter3A_199 = arith.constant 0 : i32
      %scatter3A_200 = arith.constant 0 : i32
      %scatter3A_201 = tpu.memref_slice %arg6[%scatter3A_198, %scatter3A_199, %scatter3A_200] : memref<2x50x1000xf32, #tpu.memory_space<vmem>> -> memref<1x50x1000xf32, #tpu.memory_space<vmem>>
      %scatter3A_202 = tpu.memref_squeeze %scatter3A_201 : memref<1x50x1000xf32, #tpu.memory_space<vmem>> -> memref<50x1000xf32, #tpu.memory_space<vmem>>
      tpu.vector_store_idx %scatter3A_202[%add3A_191, %get3A_197], %broadcast_in_dim3A_8 : memref<50x1000xf32, #tpu.memory_space<vmem>>[vector<16xi32>, vector<16xi32>], vector<16xf32>,
      %add3A_203 = arith.constant 16 : i32
      %add3A_204 = vector.broadcast %add3A_203 : i32 to vector<16xi32>
      %add3A_205 = arith.addi %iota3A, %add3A_204 : vector<16xi32>
      %mul3A_206 = arith.constant 50 : i32
      %mul3A_207 = arith.muli %sub3A_188, %mul3A_206 : i32
      %add3A_208 = arith.constant 16 : i32
      %add3A_209 = arith.addi %mul3A_207, %add3A_208 : i32
      %get3A_210 = arith.index_cast %add3A_209 : i32 to index
      %get3A_211 = tpu.vector_load %arg5[%get3A_210] {strides = array<i32>} : memref<1600xi32, #tpu.memory_space<vmem>>, vector<16xi32>,
      %scatter3A_212 = arith.constant 0 : i32
      %scatter3A_213 = arith.constant 0 : i32
      %scatter3A_214 = arith.constant 0 : i32
      %scatter3A_215 = tpu.memref_slice %arg6[%scatter3A_212, %scatter3A_213, %scatter3A_214] : memref<2x50x1000xf32, #tpu.memory_space<vmem>> -> memref<1x50x1000xf32, #tpu.memory_space<vmem>>
      %scatter3A_216 = tpu.memref_squeeze %scatter3A_215 : memref<1x50x1000xf32, #tpu.memory_space<vmem>> -> memref<50x1000xf32, #tpu.memory_space<vmem>>
      tpu.vector_store_idx %scatter3A_216[%add3A_205, %get3A_211], %broadcast_in_dim3A_8 : memref<50x1000xf32, #tpu.memory_space<vmem>>[vector<16xi32>, vector<16xi32>], vector<16xf32>,
      %add3A_217 = arith.constant 32 : i32
      %add3A_218 = vector.broadcast %add3A_217 : i32 to vector<16xi32>
      %add3A_219 = arith.addi %iota3A, %add3A_218 : vector<16xi32>
      %mul3A_220 = arith.constant 50 : i32
      %mul3A_221 = arith.muli %sub3A_188, %mul3A_220 : i32
      %add3A_222 = arith.constant 32 : i32
      %add3A_223 = arith.addi %mul3A_221, %add3A_222 : i32
      %get3A_224 = arith.index_cast %add3A_223 : i32 to index
      %get3A_225 = tpu.vector_load %arg5[%get3A_224] {strides = array<i32>} : memref<1600xi32, #tpu.memory_space<vmem>>, vector<16xi32>,
      %scatter3A_226 = arith.constant 0 : i32
      %scatter3A_227 = arith.constant 0 : i32
      %scatter3A_228 = arith.constant 0 : i32
      %scatter3A_229 = tpu.memref_slice %arg6[%scatter3A_226, %scatter3A_227, %scatter3A_228] : memref<2x50x1000xf32, #tpu.memory_space<vmem>> -> memref<1x50x1000xf32, #tpu.memory_space<vmem>>
      %scatter3A_230 = tpu.memref_squeeze %scatter3A_229 : memref<1x50x1000xf32, #tpu.memory_space<vmem>> -> memref<50x1000xf32, #tpu.memory_space<vmem>>
      tpu.vector_store_idx %scatter3A_230[%add3A_219, %get3A_225], %broadcast_in_dim3A_8 : memref<50x1000xf32, #tpu.memory_space<vmem>>[vector<16xi32>, vector<16xi32>], vector<16xf32>,
      %add3A_231 = arith.constant 40 : i32
      %add3A_232 = vector.broadcast %add3A_231 : i32 to vector<16xi32>
      %add3A_233 = arith.addi %iota3A, %add3A_232 : vector<16xi32>
      %mul3A_234 = arith.constant 50 : i32
      %mul3A_235 = arith.muli %sub3A_188, %mul3A_234 : i32
      %add3A_236 = arith.constant 40 : i32
      %add3A_237 = arith.addi %mul3A_235, %add3A_236 : i32
      %get3A_238 = arith.index_cast %add3A_237 : i32 to index
      %get3A_239 = tpu.vector_load %arg5[%get3A_238] {strides = array<i32>} : memref<1600xi32, #tpu.memory_space<vmem>>, vector<16xi32>,
      %scatter3A_240 = arith.constant 0 : i32
      %scatter3A_241 = arith.constant 0 : i32
      %scatter3A_242 = arith.constant 0 : i32
      %scatter3A_243 = tpu.memref_slice %arg6[%scatter3A_240, %scatter3A_241, %scatter3A_242] : memref<2x50x1000xf32, #tpu.memory_space<vmem>> -> memref<1x50x1000xf32, #tpu.memory_space<vmem>>
      %scatter3A_244 = tpu.memref_squeeze %scatter3A_243 : memref<1x50x1000xf32, #tpu.memory_space<vmem>> -> memref<50x1000xf32, #tpu.memory_space<vmem>>
      tpu.vector_store_idx %scatter3A_244[%add3A_233, %get3A_239], %broadcast_in_dim3A_8 masked %and3A : memref<50x1000xf32, #tpu.memory_space<vmem>>[vector<16xi32>, vector<16xi32>], vector<16xf32>, vector<16xi1>
      %add3A_245 = arith.constant 0 : i32
      %add3A_246 = vector.broadcast %add3A_245 : i32 to vector<16xi32>
      %add3A_247 = arith.addi %iota3A, %add3A_246 : vector<16xi32>
      %mul3A_248 = arith.constant 50 : i32
      %mul3A_249 = arith.muli %add3A_170, %mul3A_248 : i32
      %add3A_250 = arith.constant 0 : i32
      %add3A_251 = arith.addi %mul3A_249, %add3A_250 : i32
      %get3A_252 = arith.index_cast %add3A_251 : i32 to index
      %get3A_253 = tpu.vector_load %arg5[%get3A_252] {strides = array<i32>} : memref<1600xi32, #tpu.memory_space<vmem>>, vector<16xi32>,
      %scatter3A_254 = arith.constant 0 : i32
      %scatter3A_255 = arith.constant 0 : i32
      %scatter3A_256 = arith.constant 0 : i32
      %scatter3A_257 = tpu.memref_slice %arg6[%scatter3A_254, %scatter3A_255, %scatter3A_256] : memref<2x50x1000xf32, #tpu.memory_space<vmem>> -> memref<1x50x1000xf32, #tpu.memory_space<vmem>>
      %scatter3A_258 = tpu.memref_squeeze %scatter3A_257 : memref<1x50x1000xf32, #tpu.memory_space<vmem>> -> memref<50x1000xf32, #tpu.memory_space<vmem>>
      tpu.vector_store_idx %scatter3A_258[%add3A_247, %get3A_253], %broadcast_in_dim3A_6 : memref<50x1000xf32, #tpu.memory_space<vmem>>[vector<16xi32>, vector<16xi32>], vector<16xf32>,
      %add3A_259 = arith.constant 16 : i32
      %add3A_260 = vector.broadcast %add3A_259 : i32 to vector<16xi32>
      %add3A_261 = arith.addi %iota3A, %add3A_260 : vector<16xi32>
      %mul3A_262 = arith.constant 50 : i32
      %mul3A_263 = arith.muli %add3A_170, %mul3A_262 : i32
      %add3A_264 = arith.constant 16 : i32
      %add3A_265 = arith.addi %mul3A_263, %add3A_264 : i32
      %get3A_266 = arith.index_cast %add3A_265 : i32 to index
      %get3A_267 = tpu.vector_load %arg5[%get3A_266] {strides = array<i32>} : memref<1600xi32, #tpu.memory_space<vmem>>, vector<16xi32>,
      %scatter3A_268 = arith.constant 0 : i32
      %scatter3A_269 = arith.constant 0 : i32
      %scatter3A_270 = arith.constant 0 : i32
      %scatter3A_271 = tpu.memref_slice %arg6[%scatter3A_268, %scatter3A_269, %scatter3A_270] : memref<2x50x1000xf32, #tpu.memory_space<vmem>> -> memref<1x50x1000xf32, #tpu.memory_space<vmem>>
      %scatter3A_272 = tpu.memref_squeeze %scatter3A_271 : memref<1x50x1000xf32, #tpu.memory_space<vmem>> -> memref<50x1000xf32, #tpu.memory_space<vmem>>
      tpu.vector_store_idx %scatter3A_272[%add3A_261, %get3A_267], %broadcast_in_dim3A_6 : memref<50x1000xf32, #tpu.memory_space<vmem>>[vector<16xi32>, vector<16xi32>], vector<16xf32>,
      %add3A_273 = arith.constant 32 : i32
      %add3A_274 = vector.broadcast %add3A_273 : i32 to vector<16xi32>
      %add3A_275 = arith.addi %iota3A, %add3A_274 : vector<16xi32>
      %mul3A_276 = arith.constant 50 : i32
      %mul3A_277 = arith.muli %add3A_170, %mul3A_276 : i32
      %add3A_278 = arith.constant 32 : i32
      %add3A_279 = arith.addi %mul3A_277, %add3A_278 : i32
      %get3A_280 = arith.index_cast %add3A_279 : i32 to index
      %get3A_281 = tpu.vector_load %arg5[%get3A_280] {strides = array<i32>} : memref<1600xi32, #tpu.memory_space<vmem>>, vector<16xi32>,
      %scatter3A_282 = arith.constant 0 : i32
      %scatter3A_283 = arith.constant 0 : i32
      %scatter3A_284 = arith.constant 0 : i32
      %scatter3A_285 = tpu.memref_slice %arg6[%scatter3A_282, %scatter3A_283, %scatter3A_284] : memref<2x50x1000xf32, #tpu.memory_space<vmem>> -> memref<1x50x1000xf32, #tpu.memory_space<vmem>>
      %scatter3A_286 = tpu.memref_squeeze %scatter3A_285 : memref<1x50x1000xf32, #tpu.memory_space<vmem>> -> memref<50x1000xf32, #tpu.memory_space<vmem>>
      tpu.vector_store_idx %scatter3A_286[%add3A_275, %get3A_281], %broadcast_in_dim3A_6 : memref<50x1000xf32, #tpu.memory_space<vmem>>[vector<16xi32>, vector<16xi32>], vector<16xf32>,
      %add3A_287 = arith.constant 40 : i32
      %add3A_288 = vector.broadcast %add3A_287 : i32 to vector<16xi32>
      %add3A_289 = arith.addi %iota3A, %add3A_288 : vector<16xi32>
      %mul3A_290 = arith.constant 50 : i32
      %mul3A_291 = arith.muli %add3A_170, %mul3A_290 : i32
      %add3A_292 = arith.constant 40 : i32
      %add3A_293 = arith.addi %mul3A_291, %add3A_292 : i32
      %get3A_294 = arith.index_cast %add3A_293 : i32 to index
      %get3A_295 = tpu.vector_load %arg5[%get3A_294] {strides = array<i32>} : memref<1600xi32, #tpu.memory_space<vmem>>, vector<16xi32>,
      %scatter3A_296 = arith.constant 0 : i32
      %scatter3A_297 = arith.constant 0 : i32
      %scatter3A_298 = arith.constant 0 : i32
      %scatter3A_299 = tpu.memref_slice %arg6[%scatter3A_296, %scatter3A_297, %scatter3A_298] : memref<2x50x1000xf32, #tpu.memory_space<vmem>> -> memref<1x50x1000xf32, #tpu.memory_space<vmem>>
      %scatter3A_300 = tpu.memref_squeeze %scatter3A_299 : memref<1x50x1000xf32, #tpu.memory_space<vmem>> -> memref<50x1000xf32, #tpu.memory_space<vmem>>
      tpu.vector_store_idx %scatter3A_300[%add3A_289, %get3A_295], %broadcast_in_dim3A_6 masked %and3A : memref<50x1000xf32, #tpu.memory_space<vmem>>[vector<16xi32>, vector<16xi32>], vector<16xf32>, vector<16xi1>
      %add3A_301 = arith.addi %mul3A_2, %add3A_170 : i32
      %dma_start3A_302 = arith.constant 0 : i32
      %dma_start3A_303 = arith.constant 0 : i32
      %dma_start3A_304 = arith.constant 0 : i32
      %dma_start3A_305 = tpu.memref_slice %arg6[%dma_start3A_302, %dma_start3A_303, %dma_start3A_304] : memref<2x50x1000xf32, #tpu.memory_space<vmem>> -> memref<1x50x1000xf32, #tpu.memory_space<vmem>>
      %dma_start3A_306 = tpu.memref_squeeze %dma_start3A_305 : memref<1x50x1000xf32, #tpu.memory_space<vmem>> -> memref<50x1000xf32, #tpu.memory_space<vmem>>
      %dma_start3A_307 = arith.constant 0 : i32
      %dma_start3A_308 = arith.constant 0 : i32
      %dma_start3A_309 = tpu.memref_slice %arg4[%add3A_301, %dma_start3A_307, %dma_start3A_308] : memref<1024x50x1000xf32, #tpu.memory_space<hbm>> -> memref<1x50x1000xf32, #tpu.memory_space<hbm>>
      %dma_start3A_310 = tpu.memref_squeeze %dma_start3A_309 : memref<1x50x1000xf32, #tpu.memory_space<hbm>> -> memref<50x1000xf32, #tpu.memory_space<hbm>>
      %dma_start3A_311 = arith.constant 0 : i32
      %dma_start3A_312 = arith.constant 0 : i32
      %dma_start3A_313 = tpu.memref_slice %arg4[%add3A_301, %dma_start3A_311, %dma_start3A_312] : memref<1024x50x1000xf32, #tpu.memory_space<hbm>> -> memref<1x50x1000xf32, #tpu.memory_space<hbm>>
      %dma_start3A_314 = tpu.memref_squeeze %dma_start3A_313 : memref<1x50x1000xf32, #tpu.memory_space<hbm>> -> memref<50x1000xf32, #tpu.memory_space<hbm>>
      %dma_start3A_315 = arith.constant 0 : i32
      %dma_start3A_316 = arith.constant 0 : i32
      %dma_start3A_317 = tpu.memref_slice %arg6[%dma_start3A_302, %dma_start3A_315, %dma_start3A_316] : memref<2x50x1000xf32, #tpu.memory_space<vmem>> -> memref<1x50x1000xf32, #tpu.memory_space<vmem>>
      %dma_start3A_318 = tpu.memref_squeeze %dma_start3A_317 : memref<1x50x1000xf32, #tpu.memory_space<vmem>> -> memref<50x1000xf32, #tpu.memory_space<vmem>>
      tpu.enqueue_dma source(%dma_start3A_318 : memref<50x1000xf32, #tpu.memory_space<vmem>>) target(%dma_start3A_314 : memref<50x1000xf32, #tpu.memory_space<hbm>>) target_semaphore(%arg7 : memref<!tpu.dma_semaphore, #tpu.memory_space<semaphore_mem>>)
      %mul3A_319 = arith.constant 2 : i32
      %mul3A_320 = arith.muli %scan3A_166, %mul3A_319 : i32
      %add3A_321 = arith.constant 1 : i32
      %add3A_322 = arith.addi %mul3A_320, %add3A_321 : i32
      %dma_wait3A_323 = arith.constant 1 : i32
      %dma_wait3A_324 = arith.constant 0 : i32
      %dma_wait3A_325 = arith.constant 0 : i32
      %dma_wait3A_326 = tpu.memref_slice %arg6[%dma_wait3A_323, %dma_wait3A_324, %dma_wait3A_325] : memref<2x50x1000xf32, #tpu.memory_space<vmem>> -> memref<1x50x1000xf32, #tpu.memory_space<vmem>>
      %dma_wait3A_327 = tpu.memref_squeeze %dma_wait3A_326 : memref<1x50x1000xf32, #tpu.memory_space<vmem>> -> memref<50x1000xf32, #tpu.memory_space<vmem>>
      %dma_wait3A_328 = arith.constant 0 : i32
      %dma_wait3A_329 = arith.constant 0 : i32
      %dma_wait3A_330 = tpu.memref_slice %arg4[%mul3A_2, %dma_wait3A_328, %dma_wait3A_329] : memref<1024x50x1000xf32, #tpu.memory_space<hbm>> -> memref<1x50x1000xf32, #tpu.memory_space<hbm>>
      %dma_wait3A_331 = tpu.memref_squeeze %dma_wait3A_330 : memref<1x50x1000xf32, #tpu.memory_space<hbm>> -> memref<50x1000xf32, #tpu.memory_space<hbm>>
      %dma_wait3A_332 = arith.constant 0 : i32
      %dma_wait3A_333 = arith.constant 0 : i32
      %dma_wait3A_334 = tpu.memref_slice %arg4[%mul3A_2, %dma_wait3A_332, %dma_wait3A_333] : memref<1024x50x1000xf32, #tpu.memory_space<hbm>> -> memref<1x50x1000xf32, #tpu.memory_space<hbm>>
      %dma_wait3A_335 = tpu.memref_squeeze %dma_wait3A_334 : memref<1x50x1000xf32, #tpu.memory_space<hbm>> -> memref<50x1000xf32, #tpu.memory_space<hbm>>
      %dma_wait3A_336 = arith.constant 0 : i32
      %dma_wait3A_337 = arith.constant 0 : i32
      %dma_wait3A_338 = tpu.memref_slice %arg6[%dma_wait3A_323, %dma_wait3A_336, %dma_wait3A_337] : memref<2x50x1000xf32, #tpu.memory_space<vmem>> -> memref<1x50x1000xf32, #tpu.memory_space<vmem>>
      %dma_wait3A_339 = tpu.memref_squeeze %dma_wait3A_338 : memref<1x50x1000xf32, #tpu.memory_space<vmem>> -> memref<50x1000xf32, #tpu.memory_space<vmem>>
      tpu.wait_dma2 semaphore(%arg8 : memref<!tpu.dma_semaphore, #tpu.memory_space<semaphore_mem>>) src(%dma_wait3A_339 : memref<50x1000xf32, #tpu.memory_space<vmem>>) dst(%dma_wait3A_335 : memref<50x1000xf32, #tpu.memory_space<hbm>>)
      %sub3A_340 = arith.constant 2 : i32
      %sub3A_341 = arith.subi %add3A_322, %sub3A_340 : i32
      %add3A_342 = arith.constant 0 : i32
      %add3A_343 = vector.broadcast %add3A_342 : i32 to vector<16xi32>
      %add3A_344 = arith.addi %iota3A, %add3A_343 : vector<16xi32>
      %mul3A_345 = arith.constant 50 : i32
      %mul3A_346 = arith.muli %sub3A_341, %mul3A_345 : i32
      %add3A_347 = arith.constant 0 : i32
      %add3A_348 = arith.addi %mul3A_346, %add3A_347 : i32
      %get3A_349 = arith.index_cast %add3A_348 : i32 to index
      %get3A_350 = tpu.vector_load %arg5[%get3A_349] {strides = array<i32>} : memref<1600xi32, #tpu.memory_space<vmem>>, vector<16xi32>,
      %scatter3A_351 = arith.constant 1 : i32
      %scatter3A_352 = arith.constant 0 : i32
      %scatter3A_353 = arith.constant 0 : i32
      %scatter3A_354 = tpu.memref_slice %arg6[%scatter3A_351, %scatter3A_352, %scatter3A_353] : memref<2x50x1000xf32, #tpu.memory_space<vmem>> -> memref<1x50x1000xf32, #tpu.memory_space<vmem>>
      %scatter3A_355 = tpu.memref_squeeze %scatter3A_354 : memref<1x50x1000xf32, #tpu.memory_space<vmem>> -> memref<50x1000xf32, #tpu.memory_space<vmem>>
      tpu.vector_store_idx %scatter3A_355[%add3A_344, %get3A_350], %broadcast_in_dim3A_8 : memref<50x1000xf32, #tpu.memory_space<vmem>>[vector<16xi32>, vector<16xi32>], vector<16xf32>,
      %add3A_356 = arith.constant 16 : i32
      %add3A_357 = vector.broadcast %add3A_356 : i32 to vector<16xi32>
      %add3A_358 = arith.addi %iota3A, %add3A_357 : vector<16xi32>
      %mul3A_359 = arith.constant 50 : i32
      %mul3A_360 = arith.muli %sub3A_341, %mul3A_359 : i32
      %add3A_361 = arith.constant 16 : i32
      %add3A_362 = arith.addi %mul3A_360, %add3A_361 : i32
      %get3A_363 = arith.index_cast %add3A_362 : i32 to index
      %get3A_364 = tpu.vector_load %arg5[%get3A_363] {strides = array<i32>} : memref<1600xi32, #tpu.memory_space<vmem>>, vector<16xi32>,
      %scatter3A_365 = arith.constant 1 : i32
      %scatter3A_366 = arith.constant 0 : i32
      %scatter3A_367 = arith.constant 0 : i32
      %scatter3A_368 = tpu.memref_slice %arg6[%scatter3A_365, %scatter3A_366, %scatter3A_367] : memref<2x50x1000xf32, #tpu.memory_space<vmem>> -> memref<1x50x1000xf32, #tpu.memory_space<vmem>>
      %scatter3A_369 = tpu.memref_squeeze %scatter3A_368 : memref<1x50x1000xf32, #tpu.memory_space<vmem>> -> memref<50x1000xf32, #tpu.memory_space<vmem>>
      tpu.vector_store_idx %scatter3A_369[%add3A_358, %get3A_364], %broadcast_in_dim3A_8 : memref<50x1000xf32, #tpu.memory_space<vmem>>[vector<16xi32>, vector<16xi32>], vector<16xf32>,
      %add3A_370 = arith.constant 32 : i32
      %add3A_371 = vector.broadcast %add3A_370 : i32 to vector<16xi32>
      %add3A_372 = arith.addi %iota3A, %add3A_371 : vector<16xi32>
      %mul3A_373 = arith.constant 50 : i32
      %mul3A_374 = arith.muli %sub3A_341, %mul3A_373 : i32
      %add3A_375 = arith.constant 32 : i32
      %add3A_376 = arith.addi %mul3A_374, %add3A_375 : i32
      %get3A_377 = arith.index_cast %add3A_376 : i32 to index
      %get3A_378 = tpu.vector_load %arg5[%get3A_377] {strides = array<i32>} : memref<1600xi32, #tpu.memory_space<vmem>>, vector<16xi32>,
      %scatter3A_379 = arith.constant 1 : i32
      %scatter3A_380 = arith.constant 0 : i32
      %scatter3A_381 = arith.constant 0 : i32
      %scatter3A_382 = tpu.memref_slice %arg6[%scatter3A_379, %scatter3A_380, %scatter3A_381] : memref<2x50x1000xf32, #tpu.memory_space<vmem>> -> memref<1x50x1000xf32, #tpu.memory_space<vmem>>
      %scatter3A_383 = tpu.memref_squeeze %scatter3A_382 : memref<1x50x1000xf32, #tpu.memory_space<vmem>> -> memref<50x1000xf32, #tpu.memory_space<vmem>>
      tpu.vector_store_idx %scatter3A_383[%add3A_372, %get3A_378], %broadcast_in_dim3A_8 : memref<50x1000xf32, #tpu.memory_space<vmem>>[vector<16xi32>, vector<16xi32>], vector<16xf32>,
      %add3A_384 = arith.constant 40 : i32
      %add3A_385 = vector.broadcast %add3A_384 : i32 to vector<16xi32>
      %add3A_386 = arith.addi %iota3A, %add3A_385 : vector<16xi32>
      %mul3A_387 = arith.constant 50 : i32
      %mul3A_388 = arith.muli %sub3A_341, %mul3A_387 : i32
      %add3A_389 = arith.constant 40 : i32
      %add3A_390 = arith.addi %mul3A_388, %add3A_389 : i32
      %get3A_391 = arith.index_cast %add3A_390 : i32 to index
      %get3A_392 = tpu.vector_load %arg5[%get3A_391] {strides = array<i32>} : memref<1600xi32, #tpu.memory_space<vmem>>, vector<16xi32>,
      %scatter3A_393 = arith.constant 1 : i32
      %scatter3A_394 = arith.constant 0 : i32
      %scatter3A_395 = arith.constant 0 : i32
      %scatter3A_396 = tpu.memref_slice %arg6[%scatter3A_393, %scatter3A_394, %scatter3A_395] : memref<2x50x1000xf32, #tpu.memory_space<vmem>> -> memref<1x50x1000xf32, #tpu.memory_space<vmem>>
      %scatter3A_397 = tpu.memref_squeeze %scatter3A_396 : memref<1x50x1000xf32, #tpu.memory_space<vmem>> -> memref<50x1000xf32, #tpu.memory_space<vmem>>
      tpu.vector_store_idx %scatter3A_397[%add3A_386, %get3A_392], %broadcast_in_dim3A_8 masked %and3A : memref<50x1000xf32, #tpu.memory_space<vmem>>[vector<16xi32>, vector<16xi32>], vector<16xf32>, vector<16xi1>
      %add3A_398 = arith.constant 0 : i32
      %add3A_399 = vector.broadcast %add3A_398 : i32 to vector<16xi32>
      %add3A_400 = arith.addi %iota3A, %add3A_399 : vector<16xi32>
      %mul3A_401 = arith.constant 50 : i32
      %mul3A_402 = arith.muli %add3A_322, %mul3A_401 : i32
      %add3A_403 = arith.constant 0 : i32
      %add3A_404 = arith.addi %mul3A_402, %add3A_403 : i32
      %get3A_405 = arith.index_cast %add3A_404 : i32 to index
      %get3A_406 = tpu.vector_load %arg5[%get3A_405] {strides = array<i32>} : memref<1600xi32, #tpu.memory_space<vmem>>, vector<16xi32>,
      %scatter3A_407 = arith.constant 1 : i32
      %scatter3A_408 = arith.constant 0 : i32
      %scatter3A_409 = arith.constant 0 : i32
      %scatter3A_410 = tpu.memref_slice %arg6[%scatter3A_407, %scatter3A_408, %scatter3A_409] : memref<2x50x1000xf32, #tpu.memory_space<vmem>> -> memref<1x50x1000xf32, #tpu.memory_space<vmem>>
      %scatter3A_411 = tpu.memref_squeeze %scatter3A_410 : memref<1x50x1000xf32, #tpu.memory_space<vmem>> -> memref<50x1000xf32, #tpu.memory_space<vmem>>
      tpu.vector_store_idx %scatter3A_411[%add3A_400, %get3A_406], %broadcast_in_dim3A_6 : memref<50x1000xf32, #tpu.memory_space<vmem>>[vector<16xi32>, vector<16xi32>], vector<16xf32>,
      %add3A_412 = arith.constant 16 : i32
      %add3A_413 = vector.broadcast %add3A_412 : i32 to vector<16xi32>
      %add3A_414 = arith.addi %iota3A, %add3A_413 : vector<16xi32>
      %mul3A_415 = arith.constant 50 : i32
      %mul3A_416 = arith.muli %add3A_322, %mul3A_415 : i32
      %add3A_417 = arith.constant 16 : i32
      %add3A_418 = arith.addi %mul3A_416, %add3A_417 : i32
      %get3A_419 = arith.index_cast %add3A_418 : i32 to index
      %get3A_420 = tpu.vector_load %arg5[%get3A_419] {strides = array<i32>} : memref<1600xi32, #tpu.memory_space<vmem>>, vector<16xi32>,
      %scatter3A_421 = arith.constant 1 : i32
      %scatter3A_422 = arith.constant 0 : i32
      %scatter3A_423 = arith.constant 0 : i32
      %scatter3A_424 = tpu.memref_slice %arg6[%scatter3A_421, %scatter3A_422, %scatter3A_423] : memref<2x50x1000xf32, #tpu.memory_space<vmem>> -> memref<1x50x1000xf32, #tpu.memory_space<vmem>>
      %scatter3A_425 = tpu.memref_squeeze %scatter3A_424 : memref<1x50x1000xf32, #tpu.memory_space<vmem>> -> memref<50x1000xf32, #tpu.memory_space<vmem>>
      tpu.vector_store_idx %scatter3A_425[%add3A_414, %get3A_420], %broadcast_in_dim3A_6 : memref<50x1000xf32, #tpu.memory_space<vmem>>[vector<16xi32>, vector<16xi32>], vector<16xf32>,
      %add3A_426 = arith.constant 32 : i32
      %add3A_427 = vector.broadcast %add3A_426 : i32 to vector<16xi32>
      %add3A_428 = arith.addi %iota3A, %add3A_427 : vector<16xi32>
      %mul3A_429 = arith.constant 50 : i32
      %mul3A_430 = arith.muli %add3A_322, %mul3A_429 : i32
      %add3A_431 = arith.constant 32 : i32
      %add3A_432 = arith.addi %mul3A_430, %add3A_431 : i32
      %get3A_433 = arith.index_cast %add3A_432 : i32 to index
      %get3A_434 = tpu.vector_load %arg5[%get3A_433] {strides = array<i32>} : memref<1600xi32, #tpu.memory_space<vmem>>, vector<16xi32>,
      %scatter3A_435 = arith.constant 1 : i32
      %scatter3A_436 = arith.constant 0 : i32
      %scatter3A_437 = arith.constant 0 : i32
      %scatter3A_438 = tpu.memref_slice %arg6[%scatter3A_435, %scatter3A_436, %scatter3A_437] : memref<2x50x1000xf32, #tpu.memory_space<vmem>> -> memref<1x50x1000xf32, #tpu.memory_space<vmem>>
      %scatter3A_439 = tpu.memref_squeeze %scatter3A_438 : memref<1x50x1000xf32, #tpu.memory_space<vmem>> -> memref<50x1000xf32, #tpu.memory_space<vmem>>
      tpu.vector_store_idx %scatter3A_439[%add3A_428, %get3A_434], %broadcast_in_dim3A_6 : memref<50x1000xf32, #tpu.memory_space<vmem>>[vector<16xi32>, vector<16xi32>], vector<16xf32>,
      %add3A_440 = arith.constant 40 : i32
      %add3A_441 = vector.broadcast %add3A_440 : i32 to vector<16xi32>
      %add3A_442 = arith.addi %iota3A, %add3A_441 : vector<16xi32>
      %mul3A_443 = arith.constant 50 : i32
      %mul3A_444 = arith.muli %add3A_322, %mul3A_443 : i32
      %add3A_445 = arith.constant 40 : i32
      %add3A_446 = arith.addi %mul3A_444, %add3A_445 : i32
      %get3A_447 = arith.index_cast %add3A_446 : i32 to index
      %get3A_448 = tpu.vector_load %arg5[%get3A_447] {strides = array<i32>} : memref<1600xi32, #tpu.memory_space<vmem>>, vector<16xi32>,
      %scatter3A_449 = arith.constant 1 : i32
      %scatter3A_450 = arith.constant 0 : i32
      %scatter3A_451 = arith.constant 0 : i32
      %scatter3A_452 = tpu.memref_slice %arg6[%scatter3A_449, %scatter3A_450, %scatter3A_451] : memref<2x50x1000xf32, #tpu.memory_space<vmem>> -> memref<1x50x1000xf32, #tpu.memory_space<vmem>>
      %scatter3A_453 = tpu.memref_squeeze %scatter3A_452 : memref<1x50x1000xf32, #tpu.memory_space<vmem>> -> memref<50x1000xf32, #tpu.memory_space<vmem>>
      tpu.vector_store_idx %scatter3A_453[%add3A_442, %get3A_448], %broadcast_in_dim3A_6 masked %and3A : memref<50x1000xf32, #tpu.memory_space<vmem>>[vector<16xi32>, vector<16xi32>], vector<16xf32>, vector<16xi1>
      %add3A_454 = arith.addi %mul3A_2, %add3A_322 : i32
      %dma_start3A_455 = arith.constant 1 : i32
      %dma_start3A_456 = arith.constant 0 : i32
      %dma_start3A_457 = arith.constant 0 : i32
      %dma_start3A_458 = tpu.memref_slice %arg6[%dma_start3A_455, %dma_start3A_456, %dma_start3A_457] : memref<2x50x1000xf32, #tpu.memory_space<vmem>> -> memref<1x50x1000xf32, #tpu.memory_space<vmem>>
      %dma_start3A_459 = tpu.memref_squeeze %dma_start3A_458 : memref<1x50x1000xf32, #tpu.memory_space<vmem>> -> memref<50x1000xf32, #tpu.memory_space<vmem>>
      %dma_start3A_460 = arith.constant 0 : i32
      %dma_start3A_461 = arith.constant 0 : i32
      %dma_start3A_462 = tpu.memref_slice %arg4[%add3A_454, %dma_start3A_460, %dma_start3A_461] : memref<1024x50x1000xf32, #tpu.memory_space<hbm>> -> memref<1x50x1000xf32, #tpu.memory_space<hbm>>
      %dma_start3A_463 = tpu.memref_squeeze %dma_start3A_462 : memref<1x50x1000xf32, #tpu.memory_space<hbm>> -> memref<50x1000xf32, #tpu.memory_space<hbm>>
      %dma_start3A_464 = arith.constant 0 : i32
      %dma_start3A_465 = arith.constant 0 : i32
      %dma_start3A_466 = tpu.memref_slice %arg4[%add3A_454, %dma_start3A_464, %dma_start3A_465] : memref<1024x50x1000xf32, #tpu.memory_space<hbm>> -> memref<1x50x1000xf32, #tpu.memory_space<hbm>>
      %dma_start3A_467 = tpu.memref_squeeze %dma_start3A_466 : memref<1x50x1000xf32, #tpu.memory_space<hbm>> -> memref<50x1000xf32, #tpu.memory_space<hbm>>
      %dma_start3A_468 = arith.constant 0 : i32
      %dma_start3A_469 = arith.constant 0 : i32
      %dma_start3A_470 = tpu.memref_slice %arg6[%dma_start3A_455, %dma_start3A_468, %dma_start3A_469] : memref<2x50x1000xf32, #tpu.memory_space<vmem>> -> memref<1x50x1000xf32, #tpu.memory_space<vmem>>
      %dma_start3A_471 = tpu.memref_squeeze %dma_start3A_470 : memref<1x50x1000xf32, #tpu.memory_space<vmem>> -> memref<50x1000xf32, #tpu.memory_space<vmem>>
      tpu.enqueue_dma source(%dma_start3A_471 : memref<50x1000xf32, #tpu.memory_space<vmem>>) target(%dma_start3A_467 : memref<50x1000xf32, #tpu.memory_space<hbm>>) target_semaphore(%arg8 : memref<!tpu.dma_semaphore, #tpu.memory_space<semaphore_mem>>)
    }
    %scan3A_132 = arith.constant 15 : i32
    %dma_wait3A = arith.constant 0 : i32
    %dma_wait3A_133 = arith.constant 0 : i32
    %dma_wait3A_134 = arith.constant 0 : i32
    %dma_wait3A_135 = tpu.memref_slice %arg6[%dma_wait3A, %dma_wait3A_133, %dma_wait3A_134] : memref<2x50x1000xf32, #tpu.memory_space<vmem>> -> memref<1x50x1000xf32, #tpu.memory_space<vmem>>
    %dma_wait3A_136 = tpu.memref_squeeze %dma_wait3A_135 : memref<1x50x1000xf32, #tpu.memory_space<vmem>> -> memref<50x1000xf32, #tpu.memory_space<vmem>>
    %dma_wait3A_137 = arith.constant 0 : i32
    %dma_wait3A_138 = arith.constant 0 : i32
    %dma_wait3A_139 = tpu.memref_slice %arg4[%mul3A_2, %dma_wait3A_137, %dma_wait3A_138] : memref<1024x50x1000xf32, #tpu.memory_space<hbm>> -> memref<1x50x1000xf32, #tpu.memory_space<hbm>>
    %dma_wait3A_140 = tpu.memref_squeeze %dma_wait3A_139 : memref<1x50x1000xf32, #tpu.memory_space<hbm>> -> memref<50x1000xf32, #tpu.memory_space<hbm>>
    %dma_wait3A_141 = arith.constant 0 : i32
    %dma_wait3A_142 = arith.constant 0 : i32
    %dma_wait3A_143 = tpu.memref_slice %arg4[%mul3A_2, %dma_wait3A_141, %dma_wait3A_142] : memref<1024x50x1000xf32, #tpu.memory_space<hbm>> -> memref<1x50x1000xf32, #tpu.memory_space<hbm>>
    %dma_wait3A_144 = tpu.memref_squeeze %dma_wait3A_143 : memref<1x50x1000xf32, #tpu.memory_space<hbm>> -> memref<50x1000xf32, #tpu.memory_space<hbm>>
    %dma_wait3A_145 = arith.constant 0 : i32
    %dma_wait3A_146 = arith.constant 0 : i32
    %dma_wait3A_147 = tpu.memref_slice %arg6[%dma_wait3A, %dma_wait3A_145, %dma_wait3A_146] : memref<2x50x1000xf32, #tpu.memory_space<vmem>> -> memref<1x50x1000xf32, #tpu.memory_space<vmem>>
    %dma_wait3A_148 = tpu.memref_squeeze %dma_wait3A_147 : memref<1x50x1000xf32, #tpu.memory_space<vmem>> -> memref<50x1000xf32, #tpu.memory_space<vmem>>
    tpu.wait_dma2 semaphore(%arg7 : memref<!tpu.dma_semaphore, #tpu.memory_space<semaphore_mem>>) src(%dma_wait3A_148 : memref<50x1000xf32, #tpu.memory_space<vmem>>) dst(%dma_wait3A_144 : memref<50x1000xf32, #tpu.memory_space<hbm>>)
    %dma_wait3A_149 = arith.constant 1 : i32
    %dma_wait3A_150 = arith.constant 0 : i32
    %dma_wait3A_151 = arith.constant 0 : i32
    %dma_wait3A_152 = tpu.memref_slice %arg6[%dma_wait3A_149, %dma_wait3A_150, %dma_wait3A_151] : memref<2x50x1000xf32, #tpu.memory_space<vmem>> -> memref<1x50x1000xf32, #tpu.memory_space<vmem>>
    %dma_wait3A_153 = tpu.memref_squeeze %dma_wait3A_152 : memref<1x50x1000xf32, #tpu.memory_space<vmem>> -> memref<50x1000xf32, #tpu.memory_space<vmem>>
    %dma_wait3A_154 = arith.constant 0 : i32
    %dma_wait3A_155 = arith.constant 0 : i32
    %dma_wait3A_156 = tpu.memref_slice %arg4[%mul3A_2, %dma_wait3A_154, %dma_wait3A_155] : memref<1024x50x1000xf32, #tpu.memory_space<hbm>> -> memref<1x50x1000xf32, #tpu.memory_space<hbm>>
    %dma_wait3A_157 = tpu.memref_squeeze %dma_wait3A_156 : memref<1x50x1000xf32, #tpu.memory_space<hbm>> -> memref<50x1000xf32, #tpu.memory_space<hbm>>
    %dma_wait3A_158 = arith.constant 0 : i32
    %dma_wait3A_159 = arith.constant 0 : i32
    %dma_wait3A_160 = tpu.memref_slice %arg4[%mul3A_2, %dma_wait3A_158, %dma_wait3A_159] : memref<1024x50x1000xf32, #tpu.memory_space<hbm>> -> memref<1x50x1000xf32, #tpu.memory_space<hbm>>
    %dma_wait3A_161 = tpu.memref_squeeze %dma_wait3A_160 : memref<1x50x1000xf32, #tpu.memory_space<hbm>> -> memref<50x1000xf32, #tpu.memory_space<hbm>>
    %dma_wait3A_162 = arith.constant 0 : i32
    %dma_wait3A_163 = arith.constant 0 : i32
    %dma_wait3A_164 = tpu.memref_slice %arg6[%dma_wait3A_149, %dma_wait3A_162, %dma_wait3A_163] : memref<2x50x1000xf32, #tpu.memory_space<vmem>> -> memref<1x50x1000xf32, #tpu.memory_space<vmem>>
    %dma_wait3A_165 = tpu.memref_squeeze %dma_wait3A_164 : memref<1x50x1000xf32, #tpu.memory_space<vmem>> -> memref<50x1000xf32, #tpu.memory_space<vmem>>
    tpu.wait_dma2 semaphore(%arg8 : memref<!tpu.dma_semaphore, #tpu.memory_space<semaphore_mem>>) src(%dma_wait3A_165 : memref<50x1000xf32, #tpu.memory_space<vmem>>) dst(%dma_wait3A_161 : memref<50x1000xf32, #tpu.memory_space<hbm>>)
    return
  }
}

</mosaic_0001>

<sc_bundles>
// kernel: kernel.3.cloned.1.call-start
scs
__scs_entry_jumppad:
0x0: {  	(pc) =	sbr.rel $0x88, $3  }
0x1: {  	(tag) =	ssettag $0x0;
	lr =	simm.s32 $0x1  }
0x2: {  	[smem:$0x3FA0] =	sst lr;
	_ =	strace $0xD0000000  }
0x3: {  	_ = 	snop  }
0x4: {  	_ = 	snop  }
0x5: {  	_ = 	snop  }
0x6: {  	_ = 	snop  }
0x7: {  	_ = 	snop  }
__scs_overlays_trampoline_lowered:
0x8: {  	[smem:$0x3FAF] =	sst s0  }
0x9: {  	[smem:$0x3FB0] =	sst s1  }
0xa: {  	[smem:$0x3FB1] =	sst s2  }
0xb: {  	[smem:$0x3FB2] =	sst s3  }
0xc: {  	[smem:$0x3FB3] =	sst s4  }
0xd: {  	[smem:$0x3FB4] =	sst s5  }
0xe: {  	[smem:$0x3FB5] =	sst s6  }
0xf: {  	[smem:$0x3FB6] =	sst s7  }
0x10: {  	[smem:$0x3FB7] =	sst s8  }
0x11: {  	[smem:$0x3FB8] =	sst s9;
	s0 =	simm.s32 @!p0 $0x0  }
0x12: {  	s1 =	sld [smem:$0x3F9E];
	s0 =	simm.s32 @p0 $0x1  }
0x13: {  	[smem:$0x3FB9] =	sst s0;
	s0 =	simm.s32 @!p1 $0x0  }
0x14: {  	s2 =	sld [smem:$0x3F9D];
	s0 =	simm.s32 @p1 $0x1  }
0x15: {  	[smem:$0x3FBA] =	sst s0;
	s0 =	simm.s32 @!p2 $0x0  }
0x16: {  	s3 =	sld [smem:$0x3FDB];
	s0 =	simm.s32 @p2 $0x1  }
0x17: {  	s4 =	simm.s32 $0x1BF5;
	[smem:$0x3FBC] =	sst s0  }
0x18: {  	s0 =	sld [smem:$0x3F9F];
	_ =	swait.ge [sflag:s4], $0x0  }
0x19: {  	s7 =	sld [smem:$0x3FA0]  }
0x1a: {  	s8 =	sadd.s32 $0xFFFFE003, lr  }
0x1b: {  	s9 =	sadd.s32 $0xFFFFFEF7, lr;
	s5 =	simm.s32 $0xFFFFFFFF;
	p2 =	slt.u32 s8, $0xFFFFF086  }
0x1c: {  	p1 =	slt.u32 s9, $0xF7A;
	s5 =	simm.s32 @!p2 $0x0  }
0x1d: {  	s5 =	simm.s32 @p1 $0x1;
	p0 =	seq.s32 s7, s2  }
0x1e: {  	s7 =	smul.u32 @!p0 $0xF7A, s2;
	p2 =	seq.s32 @!p0 s5, $0x0  }
0x1f: {  	s9 =	smul.u32 $0xF7A, s1;
	s8 =	simm.s32 @!p0 $0x1BF5;
	p2 =	por !p2, p0  }
0x20: {  	[sflag:s8] =	ssyncset.s32 @!p0 $0xFFFFF086;
	s6 =	sadd.s32 @!p0 s3, s7;
	s7 =	simm.s32 @!p0 $0x108  }
0x21: {  	s3 =	sadd.s32 s3, s9;
	s6 =	sadd.s32 @!p0 $0x88, s6;
	s7 =	simm.s32 @p2 $0x1082  }
0x22: {  	[simem:s7], [sflag:s8] =	dma.local @!p0 [hbm:s6], $0xF7A  }
0x23: {  	s9 =	sor.u32 $0xD0000000, s2;
	s6 =	simm.s32 $0x108;
	_ =	swait.ge @!p0 [sflag:s8], $0x0  }
0x24: {  	s3 =	sadd.s32 $0x88, s3;
	s6 =	simm.s32 @!p1 $0x1082;
	[sflag:s4] =	ssyncset.s32 $0xFFFFF086  }
0x25: {  	[simem:s6], [sflag:s4] =	dma.local [hbm:s3], $0xF7A  }
0x26: {  	[smem:$0x3FA0] =	sst s1;
	(tag) =	ssettag s2;
	_ =	strace s9  }
0x27: {  	s1 =	sld [smem:$0x3FB0]  }
0x28: {  	s2 =	sld [smem:$0x3FB1]  }
0x29: {  	s4 =	sld [smem:$0x3FB3]  }
0x2a: {  	p0 =	seq.s32 s5, $0x0;
	s5 =	sld [smem:$0x3FB4]  }
0x2b: {  	s6 =	sld [smem:$0x3FB5]  }
0x2c: {  	s7 =	sld [smem:$0x3FB6]  }
0x2d: {  	s3 =	simm.s32 $0x108;
	s8 =	sld [smem:$0x3FB7]  }
0x2e: {  	s3 =	simm.s32 @!p0 $0x1082;
	s9 =	sld [smem:$0x3FB8]  }
0x2f: {  	lr =	sadd.s32 s0, s3;
	s0 =	sld [smem:$0x3FAF]  }
0x30: {  	s3 =	sld [smem:$0x3FB2]  }
0x31: {  	[smem:$0x3FBB] =	sst s10  }
0x32: {  	s10 =	sld [smem:$0x3FB9];
	_ =	sdelay $0x3  }
0x33: {  	p0 =	seq.s32 s10, $0x1;
	s10 =	sld [smem:$0x3FBB];
	_ =	sdelay $0x3  }
0x34: {  	[smem:$0x3FBB] =	sst s10  }
0x35: {  	s10 =	sld [smem:$0x3FBA];
	_ =	sdelay $0x3  }
0x36: {  	p1 =	seq.s32 s10, $0x1;
	s10 =	sld [smem:$0x3FBB];
	_ =	sdelay $0x3  }
0x37: {  	[smem:$0x3FBB] =	sst s10  }
0x38: {  	s10 =	sld [smem:$0x3FBC]  }
0x39: {  	_ = 	snop;
	(pc) =	sbr.ind lr, $3  }
0x3a: {  	_ = 	snop  }
0x3b: {  	_ = 	snop  }
0x3c: {  	p2 =	seq.s32 s10, $0x1;
	s10 =	sld [smem:$0x3FBB]  }
0x3d: {  	_ =	shalt  }
0x3e: {  	_ =	shalt  }
0x3f: {  	_ =	shalt  }
0x40: {  	_ =	shalt  }
0x41: {  	_ =	shalt  }
0x42: {  	_ =	shalt  }
0x43: {  	_ =	shalt  }
0x44: {  	_ =	shalt  }
0x45: {  	_ =	shalt  }
0x46: {  	_ =	shalt  }
0x47: {  	_ =	shalt  }
0x48: {  	_ =	shalt  }
0x49: {  	_ =	shalt  }
0x4a: {  	_ =	shalt  }
0x4b: {  	_ =	shalt  }
0x4c: {  	_ =	shalt  }
0x4d: {  	_ =	shalt  }
0x4e: {  	_ =	shalt  }
0x4f: {  	_ =	shalt  }
0x50: {  	_ =	shalt  }
0x51: {  	_ =	shalt  }
0x52: {  	_ =	shalt  }
0x53: {  	_ =	shalt  }
0x54: {  	_ =	shalt  }
0x55: {  	_ =	shalt  }
0x56: {  	_ =	shalt  }
0x57: {  	_ =	shalt  }
0x58: {  	_ =	shalt  }
0x59: {  	_ =	shalt  }
0x5a: {  	_ =	shalt  }
0x5b: {  	_ =	shalt  }
0x5c: {  	_ =	shalt  }
0x5d: {  	_ =	shalt  }
0x5e: {  	_ =	shalt  }
0x5f: {  	_ =	shalt  }
0x60: {  	_ =	shalt  }
0x61: {  	_ =	shalt  }
0x62: {  	_ =	shalt  }
0x63: {  	_ =	shalt  }
0x64: {  	_ =	shalt  }
0x65: {  	_ =	shalt  }
0x66: {  	_ =	shalt  }
0x67: {  	_ =	shalt  }
0x68: {  	_ =	shalt  }
0x69: {  	_ =	shalt  }
0x6a: {  	_ =	shalt  }
0x6b: {  	_ =	shalt  }
0x6c: {  	_ =	shalt  }
0x6d: {  	_ =	shalt  }
0x6e: {  	_ =	shalt  }
0x6f: {  	_ =	shalt  }
0x70: {  	_ =	shalt  }
0x71: {  	_ =	shalt  }
0x72: {  	_ =	shalt  }
0x73: {  	_ =	shalt  }
0x74: {  	_ =	shalt  }
0x75: {  	_ =	shalt  }
0x76: {  	_ =	shalt  }
0x77: {  	_ =	shalt  }
0x78: {  	_ =	shalt  }
0x79: {  	_ =	shalt  }
0x7a: {  	_ =	shalt  }
0x7b: {  	_ =	shalt  }
0x7c: {  	_ =	shalt  }
0x7d: {  	_ =	shalt  }
0x7e: {  	_ =	shalt  }
0x7f: {  	_ =	shalt  }
0x80: {  	_ =	shalt  }
0x81: {  	_ =	shalt  }
0x82: {  	_ =	shalt  }
0x83: {  	_ =	shalt  }
0x84: {  	_ =	shalt  }
0x85: {  	_ =	shalt  }
0x86: {  	_ =	shalt  }
0x87: {  	_ =	shalt  }
.Lfunc_end0:
.L_simem_size_0:
called_computation_lowered:
.L_overlay_start_0:
0x88: {  	s2 =	sld [smem:$0x3FD9]  }
0x89: {  	s3 =	sld [smem:$0x3FFE];
	_ =	sdelay $0x1  }
0x8a: {  	s1 =	srdreg.scid  }
0x8b: {  	s0 =	sand.u32 $0x1, s1  }
0x8c: {  	s17 =	sshll.u32 s0, $0xA;
	s2 =	sadd.s32 s3, s2  }
0x8d: {  	s2 =	sadd.s32 s2, s17  }
0x8e: {  	[smem:$0x3FC7] =	sst s2  }
0x8f: {  	_ = 	snop  }
0x90: {  	s2 =	sld [smem:$0x3FD0];
	(tm) =	ssettm $0x1  }
0x91: {  	s18 =	sld [smem:$0x3FFB];
	_ =	sdelay $0x3  }
0x92: {  	_ =	strace s18  }
0x93: {  	s3 =	sld [smem:$0x3FFC];
	_ =	sdelay $0x3  }
0x94: {  	_ =	strace s3  }
0x95: {  	s3 =	sld [smem:$0x3FFD];
	_ =	sdelay $0x3  }
0x96: {  	_ =	strace s3  }
0x97: {  	_ =	strace $0x8FFFFFFF  }
0x98: {  	s19 =	sld [smem:$0x3FDB];
	_ =	sdelay $0x1  }
0x99: {  	s4 =	simm.s32 $_scs_section_size  }
0x9a: {  	s5 =	simm.s32 $_size__tile_overlayer_lowered;
	s6 =	simm.s32 $_tile_overlayer_lowered  }
0x9b: {  	s22 =	simm.s32 $0x1BFF;
	s21 =	sshll.u32 s6, $0x1;
	s3 =	sadd.s32 s4, s19  }
0x9c: {  	s7 =	simm.s32 $0x0;
	s20 =	sshll.u32 s5, $0x1;
	s5 =	sadd.s32 s21, s3  }
0x9d: {  	[timem:s7], [sflag:s22] =	dma.local [hbm:s5], s20  }
0x9e: {  	_ =	swait.ge [sflag:s22], s20  }
0x9f: {  	s4 =	ssub.s32 $0x0, s20;
	[sflag:s22] =	ssyncset.done $0x0  }
0xa0: {  	[sflag:s22] =	ssyncadd.s32 s4;
	_ =	sdelay $0x1  }
0xa1: {  	s23 =	simm.s32 $0x1B8B  }
0xa2: {  	_ =	swait.ge [sflag:s23], $0x1  }
0xa3: {  	[sflag:s23] =	ssyncset.done $0x0  }
0xa4: {  	s25 =	simm.s32 $0x1B8E;
	s24 =	sld [smem:$0x3FFE];
	[sflag:s23] =	ssyncadd.s32 $0xFFFFFFFF  }
0xa5: {  	s26 =	simm.s32 $execute0_lowered;
	[smem:$0x3FD2] =	sst s25  }
0xa6: {  	s5 =	sshll.u32 s26, $0x1;
	_ =	strace $0x80000046;
	[dreg:$0x1] =	wrdreg $0xFFFFFFFF  }
0xa7: {  	s28 =	simm.s32 $_size_execute0_lowered;
	s3 =	sadd.s32 s3, s5;
	[dreg:$0x0] =	wrdreg $0x0  }
0xa8: {  	s5 =	sshll.u32 s28, $0x1;
	[dreg:$0x2] =	wrdreg s3  }
0xa9: {  	[dreg:$0x3] =	wrdreg s5  }
0xaa: {  	[dreg:$0x4] =	wrdreg $0xC0  }
0xab: {  	_ =	task [dreg:s7], $0x5FFFF  }
0xac: {  	[dreg:$0x1] =	wrdreg $0xFFFFFFFF  }
0xad: {  	[dreg:$0x0] =	wrdreg $0x60  }
0xae: {  	[dreg:$0x2] =	wrdreg s24  }
0xaf: {  	[dreg:$0x3] =	wrdreg s2  }
0xb0: {  	[dreg:$0x4] =	wrdreg $0x9  }
0xb1: {  	_ =	task.clear_ibuf [dreg:s7], $0x5FFFF;
	_ =	strace $0x90000046  }
0xb2: {  	s29 =	simm.s32 $0x9;
	_ =	strace $0x80000048  }
0xb3: {  	_ =	swait.ge [sflag:s29], $0x1  }
0xb4: {  	[sflag:s29] =	ssyncadd.s32 $0xFFFFFFFF  }
0xb5: {  	_ =	strace $0x90000048  }
0xb6: {  	_ =	sfence  }
0xb7: {  	s30 =	sld [smem:$0x0];
	_ =	sdelay $0x2  }
0xb8: {  	s31 =	sshll.u32 s1, $0xD;
	s1 =	sshrl.u32 s1, $0x2  }
0xb9: {  	s3 =	sand.u32 $0x4000, s31;
	s1 =	sadd.s32 s1, s30  }
0xba: {  	s0 =	sor.u32 s3, s0;
	s1 =	sshll.u32 s1, $0x11  }
0xbb: {  	s0 =	sor.u32 s1, s0  }
0xbc: {  	s0 =	sadd.s32 $0x8F2B, s0  }
0xbd: {  	[sflag:s0] =	ssyncadd.remote.s32 $0x1  }
0xbe: {  	_ =	sfence.sel $0xFFFF  }
0xbf: {  	[dreg:$0x0] =	wrdreg $0xFFFFFFFF;
	(pc) =	sbr.abs _section_cstart, $3  }
0xc0: {  	[dreg:$0x1] =	wrdreg $0xFFFFFFFF  }
0xc1: {  	_ =	task.clear_ibuf [dreg:s7], $0x2FFFF;
	_ =	strace $0x9FFFFFFF  }
0xc2: {  	(tm) =	ssettm $0x7FFFFFFF  }
0xc3: {  	_ =	shalt  }
tec
execute0_lowered:
.L_overlay_start_1:
0x0: {  	(tag) =	ssettag $0x1  }
0x1: {  	v0 =	vimm.s32 $0x2380  }
0x2: {  	vm14 =	vcmask $0x300;
	vm13 =	vcmask $0x704;
	vm12 =	vcmask $0xB08  }
0x3: {  	vm11 =	vcmask $0xF0C;
	vm10 =	vcmask $0x1310;
	vm9 =	vcmask $0x1714  }
0x4: {  	vm8 =	vcmask $0x1B18;
	vm7 =	vcmask $0x1F1C;
	vm6 =	vcmask $0x2320  }
0x5: {  	vm5 =	vcmask $0x2724;
	vm4 =	vcmask $0x2B28;
	vm3 =	vcmask $0x2F2C  }
0x6: {  	vm2 =	vcmask $0x3330;
	vm0 =	vcmask $0x3734;
	vm1 =	vcmask $0x3B38  }
0x7: {  	v1 =	vimm.f32 $1.000000000e+00;
	v2 =	vimm.s32 $0x6380;
	v3 =	vimm.s32 $0xA380  }
0x8: {  	v4 =	vimm.s32 $0xC380;
	v5 =	vimm.f32 $0.0e+00;
	v0 =	vsel vm14, $0x0, v0  }
0x9: {  	v2 =	vsel vm14, $0x4000, v2;
	v3 =	vsel vm14, $0x8000, v3;
	v4 =	vsel vm14, $0xA000, v4  }
0xa: {  	v0 =	vsel vm13, $0x80, v0;
	v2 =	vsel vm13, $0x4080, v2;
	v3 =	vsel vm13, $0x8080, v3  }
0xb: {  	v4 =	vsel vm13, $0xA080, v4;
	v0 =	vsel vm12, $0x100, v0;
	v2 =	vsel vm12, $0x4100, v2  }
0xc: {  	v3 =	vsel vm12, $0x8100, v3;
	v4 =	vsel vm12, $0xA100, v4;
	v0 =	vsel vm11, $0x180, v0  }
0xd: {  	v2 =	vsel vm11, $0x4180, v2;
	v3 =	vsel vm11, $0x8180, v3;
	v4 =	vsel vm11, $0xA180, v4  }
0xe: {  	v0 =	vsel vm10, $0x200, v0;
	v2 =	vsel vm10, $0x4200, v2;
	v3 =	vsel vm10, $0x8200, v3  }
0xf: {  	v4 =	vsel vm10, $0xA200, v4;
	v0 =	vsel vm9, $0x280, v0;
	v2 =	vsel vm9, $0x4280, v2  }
0x10: {  	v3 =	vsel vm9, $0x8280, v3;
	v4 =	vsel vm9, $0xA280, v4;
	v0 =	vsel vm8, $0x300, v0  }
0x11: {  	v2 =	vsel vm8, $0x4300, v2;
	v3 =	vsel vm8, $0x8300, v3;
	v4 =	vsel vm8, $0xA300, v4  }
0x12: {  	s4 =	rddreg [dreg:$0x0];
	s1 =	srdreg.scid;
	v0 =	vsel vm7, $0x380, v0;
	v2 =	vsel vm7, $0x4380, v2;
	v3 =	vsel vm7, $0x8380, v3  }
0x13: {  	s0 =	stileid.u32;
	s2 =	rddreg [dreg:$0x1];
	s3 =	simm.s32 $0x0;
	v4 =	vsel vm7, $0xA380, v4;
	v0 =	vsel vm6, $0x2000, v0;
	v2 =	vsel vm6, $0x6000, v2  }
0x14: {  	s12 =	simm.s32 $0x1;
	s13 =	simm.s32 $0x2;
	s14 =	simm.s32 $0x0;
	v3 =	vsel vm6, $0xA000, v3;
	v4 =	vsel vm6, $0xC000, v4;
	v0 =	vsel vm5, $0x2080, v0  }
0x15: {  	s5 =	sand.u32 $0x1, s1;
	s6 =	sshll.u32 s0, $0x1;
	s1 =	rddreg [dreg:$0x2];
	v2 =	vsel vm5, $0x6080, v2;
	v3 =	vsel vm5, $0xA080, v3;
	v4 =	vsel vm5, $0xC080, v4  }
0x16: {  	[smem:$0x7FF] =	sst s3;
	s10 =	smul.u32 $0x70000, s0;
	s6 =	sor.u32 s5, s6;
	v0 =	vsel vm4, $0x2100, v0;
	v2 =	vsel vm4, $0x6100, v2;
	v3 =	vsel vm4, $0xA100, v3  }
0x17: {  	s11 =	sadd.s32 $0x1E00, s4;
	s8 =	ssub.s32 $0x2, s5;
	s7 =	smul.u32 $0xC8, s6;
	v4 =	vsel vm4, $0xC100, v4;
	v0 =	vsel vm3, $0x2180, v0;
	v2 =	vsel vm3, $0x6180, v2  }
0x18: {  	_ =	strace $0x80000047;
	s6 =	smul.u32 $0x38000, s6;
	s9 =	sshrl.u32 s8, $0x1;
	v3 =	vsel vm3, $0xA180, v3;
	v4 =	vsel vm3, $0xC180, v4;
	v0 =	vsel vm2, $0x2200, v0  }
0x19: {  	s31 =	smul.u32 $0x38000, s5;
	s10 =	sadd.s32 s10, s11;
	s8 =	ssub.s32 s8, s9;
	v2 =	vsel vm2, $0x6200, v2;
	v3 =	vsel vm2, $0xA200, v3;
	v4 =	vsel vm2, $0xC200, v4  }
0x1a: {  	s9 =	simm.s32 $0x3;
	s7 =	sadd.s32 s7, s4;
	s5 =	sadd.s32 s11, s6;
	v0 =	vsel vm0, $0x2280, v0;
	v2 =	vsel vm0, $0x6280, v2;
	v3 =	vsel vm0, $0xA280, v3  }
0x1b: {  	s11 =	simm.s32 $0xE680;
	s4 =	sadd.s32 $0x400, s7;
	s6 =	sadd.s32 $0x1C00, s5;
	v4 =	vsel vm0, $0xC280, v4;
	vm0 =	vcmask $0x2720;
	v0 =	vsel vm1, $0x2300, v0  }
0x1c: {  	s7 =	smax.u32 s8, $0x1;
	s8 =	sadd.s32 s31, s10;
	s10 =	simm.s32 $0x680;
	v2 =	vsel vm1, $0x6300, v2;
	v3 =	vsel vm1, $0xA300, v3;
	v4 =	vsel vm1, $0xC300, v4  }
.LBB2_1:
0x1d: {  	[tilespmem:s3], [sflag:$0x3] =	stream.linear.gather [hbm4b:s4+s3], $0x640, $0x38;
	[tilespmem:$0x1C680] =	vst v63  }
0x1e: {  	_ =	swait.ge [sflag:s9], $0x640  }
0x1f: {  	[sflag:s9] =	ssyncset.done $0x0  }
0x20: {  	[sflag:s9] =	ssyncadd.s32 $0xFFFFF9C0  }
0x21: {  	[tilespmem:s10], [sflag:$0x3] =	stream.linear.gather [hbm4b:s2+s3], $0xE000, $0x38;
	[tilespmem:$0x1C680] =	vst v63  }
0x22: {  	_ =	swait.ge [sflag:s9], $0xE000  }
0x23: {  	[sflag:s9] =	ssyncset.done $0x0  }
0x24: {  	[sflag:s9] =	ssyncadd.s32 $0xFFFF2000  }
0x25: {  	[tilespmem:s11], [sflag:$0x3] =	stream.linear.gather [hbm4b:s2+s3], $0xE000, $0x38;
	[tilespmem:$0x1C680] =	vst v63  }
0x26: {  	_ =	swait.ge [sflag:s9], $0xE000  }
0x27: {  	[sflag:s9] =	ssyncset.done $0x0  }
0x28: {  	[sflag:s9] =	ssyncadd.s32 $0xFFFF2000  }
0x29: {  	v6 =	vld [tilespmem:$0x0];
	_ =	sdelay $0x4  }
0x2a: {  	v7 =	vshll.u32 v6, $0x3  }
0x2b: {  	v6 =	vand.u32 $0x7F, v6;
	v7 =	vand.u32 $0xFFFFFC00, v7  }
0x2c: {  	v6 =	vor.u32 v6, v7  }
0x2d: {  	v6 =	vadd.s32 v0, v6;
	_ =	sdelay $0x4  }
0x2e: {  	[tilespmem:v6+s10+$0x0] =	vst.idx.msk $0xffff, v1  }
0x2f: {  	v6 =	vld [tilespmem:$0x10];
	_ =	sdelay $0x4  }
0x30: {  	v7 =	vshll.u32 v6, $0x3  }
0x31: {  	v6 =	vand.u32 $0x7F, v6;
	v7 =	vand.u32 $0xFFFFFC00, v7  }
0x32: {  	v6 =	vor.u32 v6, v7  }
0x33: {  	v6 =	vadd.s32 v2, v6;
	_ =	sdelay $0x4  }
0x34: {  	[tilespmem:v6+s10+$0x0] =	vst.idx.msk $0xffff, v1  }
0x35: {  	v6 =	vld [tilespmem:$0x20];
	_ =	sdelay $0x4  }
0x36: {  	v7 =	vshll.u32 v6, $0x3  }
0x37: {  	v6 =	vand.u32 $0x7F, v6;
	v7 =	vand.u32 $0xFFFFFC00, v7  }
0x38: {  	v6 =	vor.u32 v6, v7  }
0x39: {  	v6 =	vadd.s32 v3, v6;
	_ =	sdelay $0x4  }
0x3a: {  	[tilespmem:v6+s10+$0x0] =	vst.idx.msk $0xffff, v1  }
0x3b: {  	v6 =	vld [tilespmem:$0x28];
	_ =	sdelay $0x4  }
0x3c: {  	v7 =	vshll.u32 v6, $0x3  }
0x3d: {  	v6 =	vand.u32 $0x7F, v6;
	v7 =	vand.u32 $0xFFFFFC00, v7  }
0x3e: {  	v6 =	vor.u32 v6, v7  }
0x3f: {  	v6 =	vadd.s32 v4, v6;
	_ =	sdelay $0x4  }
0x40: {  	[tilespmem:v6+s10+$0x0] =	vst.idx.msk vm0, v1  }
0x41: {  	[hbm4b:s5+s3] =	stream.linear.scatter [tilespmem:s10], [sflag:$0x1], $0xE000, $0x38;
	[tilespmem:$0x1C680] =	vst v63  }
0x42: {  	v6 =	vld [tilespmem:$0x32];
	_ =	sdelay $0x4  }
0x43: {  	v7 =	vshll.u32 v6, $0x3  }
0x44: {  	v6 =	vand.u32 $0x7F, v6;
	v7 =	vand.u32 $0xFFFFFC00, v7  }
0x45: {  	v6 =	vor.u32 v6, v7  }
0x46: {  	v6 =	vadd.s32 v0, v6;
	_ =	sdelay $0x4  }
0x47: {  	[tilespmem:v6+s11+$0x0] =	vst.idx.msk $0xffff, v1  }
0x48: {  	v6 =	vld [tilespmem:$0x42];
	_ =	sdelay $0x4  }
0x49: {  	v7 =	vshll.u32 v6, $0x3  }
0x4a: {  	v6 =	vand.u32 $0x7F, v6;
	v7 =	vand.u32 $0xFFFFFC00, v7  }
0x4b: {  	v6 =	vor.u32 v6, v7  }
0x4c: {  	v6 =	vadd.s32 v2, v6;
	_ =	sdelay $0x4  }
0x4d: {  	[tilespmem:v6+s11+$0x0] =	vst.idx.msk $0xffff, v1  }
0x4e: {  	v6 =	vld [tilespmem:$0x52];
	_ =	sdelay $0x4  }
0x4f: {  	v7 =	vshll.u32 v6, $0x3  }
0x50: {  	v6 =	vand.u32 $0x7F, v6;
	v7 =	vand.u32 $0xFFFFFC00, v7  }
0x51: {  	v6 =	vor.u32 v6, v7  }
0x52: {  	v6 =	vadd.s32 v3, v6;
	_ =	sdelay $0x4  }
0x53: {  	[tilespmem:v6+s11+$0x0] =	vst.idx.msk $0xffff, v1  }
0x54: {  	v6 =	vld [tilespmem:$0x5A];
	_ =	sdelay $0x4  }
0x55: {  	v7 =	vshll.u32 v6, $0x3  }
0x56: {  	v6 =	vand.u32 $0x7F, v6;
	v7 =	vand.u32 $0xFFFFFC00, v7  }
0x57: {  	v6 =	vor.u32 v6, v7  }
0x58: {  	v6 =	vadd.s32 v4, v6;
	_ =	sdelay $0x4  }
0x59: {  	s15 =	simm.s32 $0xFFFCB800;
	s16 =	simm.s32 $0x64;
	[tilespmem:v6+s11+$0x0] =	vst.idx.msk vm0, v1  }
0x5a: {  	[hbm4b:s6+s3] =	stream.linear.scatter [tilespmem:s11], [sflag:$0x2], $0xE000, $0x38;
	[tilespmem:$0x1C680] =	vst v63  }
.LBB2_2:
0x5b: {  	_ =	swait.ge [sflag:s12], $0xE000  }
0x5c: {  	[sflag:s12] =	ssyncset.done $0x0  }
0x5d: {  	[sflag:s12] =	ssyncadd.s32 $0xFFFF2000  }
0x5e: {  	v6 =	vld [tilespmem:s16+$0xFFFFFF9C];
	_ =	sdelay $0x4  }
0x5f: {  	v7 =	vshll.u32 v6, $0x3  }
0x60: {  	v6 =	vand.u32 $0x7F, v6;
	v7 =	vand.u32 $0xFFFFFC00, v7  }
0x61: {  	v6 =	vor.u32 v6, v7  }
0x62: {  	v6 =	vadd.s32 v0, v6;
	_ =	sdelay $0x4  }
0x63: {  	[tilespmem:v6+s10+$0x0] =	vst.idx.msk $0xffff, v5  }
0x64: {  	v6 =	vld [tilespmem:s16+$0xFFFFFFAC];
	_ =	sdelay $0x4  }
0x65: {  	v7 =	vshll.u32 v6, $0x3  }
0x66: {  	v6 =	vand.u32 $0x7F, v6;
	v7 =	vand.u32 $0xFFFFFC00, v7  }
0x67: {  	v6 =	vor.u32 v6, v7  }
0x68: {  	v6 =	vadd.s32 v2, v6;
	_ =	sdelay $0x4  }
0x69: {  	[tilespmem:v6+s10+$0x0] =	vst.idx.msk $0xffff, v5  }
0x6a: {  	v6 =	vld [tilespmem:s16+$0xFFFFFFBC];
	_ =	sdelay $0x4  }
0x6b: {  	v7 =	vshll.u32 v6, $0x3  }
0x6c: {  	v6 =	vand.u32 $0x7F, v6;
	v7 =	vand.u32 $0xFFFFFC00, v7  }
0x6d: {  	v6 =	vor.u32 v6, v7  }
0x6e: {  	v6 =	vadd.s32 v3, v6;
	_ =	sdelay $0x4  }
0x6f: {  	[tilespmem:v6+s10+$0x0] =	vst.idx.msk $0xffff, v5  }
0x70: {  	v6 =	vld [tilespmem:s16+$0xFFFFFFC4];
	_ =	sdelay $0x4  }
0x71: {  	v7 =	vshll.u32 v6, $0x3  }
0x72: {  	v6 =	vand.u32 $0x7F, v6;
	v7 =	vand.u32 $0xFFFFFC00, v7  }
0x73: {  	v6 =	vor.u32 v6, v7  }
0x74: {  	v6 =	vadd.s32 v4, v6;
	_ =	sdelay $0x4  }
0x75: {  	[tilespmem:v6+s10+$0x0] =	vst.idx.msk vm0, v5  }
0x76: {  	v6 =	vld [tilespmem:s16+$0x0];
	_ =	sdelay $0x4  }
0x77: {  	v7 =	vshll.u32 v6, $0x3  }
0x78: {  	v6 =	vand.u32 $0x7F, v6;
	v7 =	vand.u32 $0xFFFFFC00, v7  }
0x79: {  	v6 =	vor.u32 v6, v7  }
0x7a: {  	v6 =	vadd.s32 v0, v6;
	_ =	sdelay $0x4  }
0x7b: {  	[tilespmem:v6+s10+$0x0] =	vst.idx.msk $0xffff, v1  }
0x7c: {  	v6 =	vld [tilespmem:s16+$0x10];
	_ =	sdelay $0x4  }
0x7d: {  	v7 =	vshll.u32 v6, $0x3  }
0x7e: {  	v6 =	vand.u32 $0x7F, v6;
	v7 =	vand.u32 $0xFFFFFC00, v7  }
0x7f: {  	v6 =	vor.u32 v6, v7  }
0x80: {  	v6 =	vadd.s32 v2, v6;
	_ =	sdelay $0x4  }
0x81: {  	[tilespmem:v6+s10+$0x0] =	vst.idx.msk $0xffff, v1  }
0x82: {  	v6 =	vld [tilespmem:s16+$0x20];
	_ =	sdelay $0x4  }
0x83: {  	v7 =	vshll.u32 v6, $0x3  }
0x84: {  	v6 =	vand.u32 $0x7F, v6;
	v7 =	vand.u32 $0xFFFFFC00, v7  }
0x85: {  	v6 =	vor.u32 v6, v7  }
0x86: {  	v6 =	vadd.s32 v3, v6;
	_ =	sdelay $0x4  }
0x87: {  	[tilespmem:v6+s10+$0x0] =	vst.idx.msk $0xffff, v1  }
0x88: {  	v6 =	vld [tilespmem:s16+$0x28];
	_ =	sdelay $0x4  }
0x89: {  	v7 =	vshll.u32 v6, $0x3  }
0x8a: {  	v6 =	vand.u32 $0x7F, v6;
	v7 =	vand.u32 $0xFFFFFC00, v7  }
0x8b: {  	v6 =	vor.u32 v6, v7  }
0x8c: {  	v6 =	vadd.s32 v4, v6;
	_ =	sdelay $0x3  }
0x8d: {  	s17 =	sadd.s32 s15, s8  }
0x8e: {  	s18 =	sadd.s32 $0x38000, s17;
	[tilespmem:v6+s10+$0x0] =	vst.idx.msk vm0, v1  }
0x8f: {  	[hbm4b:s18+s3] =	stream.linear.scatter [tilespmem:s10], [sflag:$0x1], $0xE000, $0x38;
	[tilespmem:$0x1C680] =	vst v63  }
0x90: {  	_ =	swait.ge [sflag:s13], $0xE000  }
0x91: {  	[sflag:s13] =	ssyncset.done $0x0  }
0x92: {  	[sflag:s13] =	ssyncadd.s32 $0xFFFF2000  }
0x93: {  	v6 =	vld [tilespmem:s16+$0xFFFFFFCE];
	_ =	sdelay $0x4  }
0x94: {  	v7 =	vshll.u32 v6, $0x3  }
0x95: {  	v6 =	vand.u32 $0x7F, v6;
	v7 =	vand.u32 $0xFFFFFC00, v7  }
0x96: {  	v6 =	vor.u32 v6, v7  }
0x97: {  	v6 =	vadd.s32 v0, v6;
	_ =	sdelay $0x4  }
0x98: {  	[tilespmem:v6+s11+$0x0] =	vst.idx.msk $0xffff, v5  }
0x99: {  	v6 =	vld [tilespmem:s16+$0xFFFFFFDE];
	_ =	sdelay $0x4  }
0x9a: {  	v7 =	vshll.u32 v6, $0x3  }
0x9b: {  	v6 =	vand.u32 $0x7F, v6;
	v7 =	vand.u32 $0xFFFFFC00, v7  }
0x9c: {  	v6 =	vor.u32 v6, v7  }
0x9d: {  	v6 =	vadd.s32 v2, v6;
	_ =	sdelay $0x4  }
0x9e: {  	[tilespmem:v6+s11+$0x0] =	vst.idx.msk $0xffff, v5  }
0x9f: {  	v6 =	vld [tilespmem:s16+$0xFFFFFFEE];
	_ =	sdelay $0x4  }
0xa0: {  	v7 =	vshll.u32 v6, $0x3  }
0xa1: {  	v6 =	vand.u32 $0x7F, v6;
	v7 =	vand.u32 $0xFFFFFC00, v7  }
0xa2: {  	v6 =	vor.u32 v6, v7  }
0xa3: {  	v6 =	vadd.s32 v3, v6;
	_ =	sdelay $0x4  }
0xa4: {  	[tilespmem:v6+s11+$0x0] =	vst.idx.msk $0xffff, v5  }
0xa5: {  	v6 =	vld [tilespmem:s16+$0xFFFFFFF6];
	_ =	sdelay $0x4  }
0xa6: {  	v7 =	vshll.u32 v6, $0x3  }
0xa7: {  	v6 =	vand.u32 $0x7F, v6;
	v7 =	vand.u32 $0xFFFFFC00, v7  }
0xa8: {  	v6 =	vor.u32 v6, v7  }
0xa9: {  	v6 =	vadd.s32 v4, v6;
	_ =	sdelay $0x4  }
0xaa: {  	[tilespmem:v6+s11+$0x0] =	vst.idx.msk vm0, v5  }
0xab: {  	v6 =	vld [tilespmem:s16+$0x32];
	_ =	sdelay $0x4  }
0xac: {  	v7 =	vshll.u32 v6, $0x3  }
0xad: {  	v6 =	vand.u32 $0x7F, v6;
	v7 =	vand.u32 $0xFFFFFC00, v7  }
0xae: {  	v6 =	vor.u32 v6, v7  }
0xaf: {  	v6 =	vadd.s32 v0, v6;
	_ =	sdelay $0x4  }
0xb0: {  	[tilespmem:v6+s11+$0x0] =	vst.idx.msk $0xffff, v1  }
0xb1: {  	v6 =	vld [tilespmem:s16+$0x42];
	_ =	sdelay $0x4  }
0xb2: {  	v7 =	vshll.u32 v6, $0x3  }
0xb3: {  	v6 =	vand.u32 $0x7F, v6;
	v7 =	vand.u32 $0xFFFFFC00, v7  }
0xb4: {  	v6 =	vor.u32 v6, v7  }
0xb5: {  	v6 =	vadd.s32 v2, v6;
	_ =	sdelay $0x4  }
0xb6: {  	[tilespmem:v6+s11+$0x0] =	vst.idx.msk $0xffff, v1  }
0xb7: {  	v6 =	vld [tilespmem:s16+$0x52];
	_ =	sdelay $0x4  }
0xb8: {  	v7 =	vshll.u32 v6, $0x3  }
0xb9: {  	v6 =	vand.u32 $0x7F, v6;
	v7 =	vand.u32 $0xFFFFFC00, v7  }
0xba: {  	v6 =	vor.u32 v6, v7  }
0xbb: {  	v6 =	vadd.s32 v3, v6;
	_ =	sdelay $0x4  }
0xbc: {  	[tilespmem:v6+s11+$0x0] =	vst.idx.msk $0xffff, v1  }
0xbd: {  	v6 =	vld [tilespmem:s16+$0x5A];
	_ =	sdelay $0x4  }
0xbe: {  	v7 =	vshll.u32 v6, $0x3  }
0xbf: {  	v6 =	vand.u32 $0x7F, v6;
	v7 =	vand.u32 $0xFFFFFC00, v7  }
0xc0: {  	v6 =	vor.u32 v6, v7  }
0xc1: {  	v6 =	vadd.s32 v4, v6  }
0xc2: {  	p0 =	sne.s32 s15, $0xFFFFC800  }
.Ltmp0:
0xc3: {  	_ = 	snop;
	(pc) =	sbr.rel @p0 .LBB2_2-.Ltmp0, $3  }
0xc4: {  	_ =	sdelay $0x1  }
0xc5: {  	s15 =	sadd.s32 $0x3800, s15;
	s17 =	sadd.s32 $0x39C00, s17;
	s16 =	sadd.s32 $0x64, s16;
	[tilespmem:v6+s11+$0x0] =	vst.idx.msk vm0, v1  }
0xc6: {  	[hbm4b:s17+s3] =	stream.linear.scatter [tilespmem:s11], [sflag:$0x2], $0xE000, $0x38;
	[tilespmem:$0x1C680] =	vst v63  }
0xc7: {  	s14 =	sadd.s32 $0x1, s14  }
0xc8: {  	_ =	swait.ge [sflag:s12], $0xE000;
	p0 =	sne.s32 s14, s7  }
.Ltmp1:
0xc9: {  	[sflag:s12] =	ssyncset.done $0x0;
	(pc) =	sbr.rel @p0 .LBB2_1-.Ltmp1, $4  }
0xca: {  	[sflag:s12] =	ssyncadd.s32 $0xFFFF2000  }
0xcb: {  	_ =	swait.ge [sflag:s13], $0xE000  }
0xcc: {  	[sflag:s13] =	ssyncset.done $0x0  }
0xcd: {  	[sflag:s13] =	ssyncadd.s32 $0xFFFF2000  }
0xce: {  	_ =	sfence.sel $0x180000  }
0xcf: {  	[bflag:$0x0] =	sbarrier.arrive $0xFFFF  }
0xd0: {  	p0 =	sne.s32 s0, $0x0;
	_ =	strace $0x90000047  }
0xd1: {  	s0 =	sadd.s32 @!p0 $0x100000, s1;
	[bflag:$0x2] =	sbarrier.arrive $0xFFFF  }
0xd2: {  	[sflag:s0] =	ssyncadd.tile.s32 @!p0 $0x1;
	_ =	shalt  }
.Lfunc_end2:
_tile_overlayer_lowered:
.L_overlay_start_2:
0xd3: {  	(tag) =	ssettag $0x2  }
0xd4: {  	s0 =	rddreg [dreg:$0x0];
	s2 =	stileid.u32  }
0xd5: {  	s1 =	rddreg [dreg:$0x1];
	p0 =	sne.s32 s2, $0x0  }
0xd6: {  	s3 =	rddreg [dreg:$0x2];
	[bflag:$0x3] =	sbarrier.arrive $0xFFFF;
	s2 =	simm.s32 @!p0 $0x1C03  }
0xd7: {  	[timem:s3], [sflag:s2] =	dma.local @!p0 [hbm:s0], s1  }
0xd8: {  	s0 =	simm.s32 @!p0 $0x3  }
0xd9: {  	_ =	swait.ge @!p0 [sflag:s0], s1  }
0xda: {  	s1 =	ssub.s32 @!p0 $0x0, s1;
	[sflag:s0] =	ssyncset.done @!p0 $0x0  }
0xdb: {  	[sflag:s0] =	ssyncadd.s32 @!p0 s1  }
0xdc: {  	[bflag:$0x3] =	sbarrier.arrive $0xFFFF  }
0xdd: {  	_ =	shalt  }

</sc_bundles>
